<compile_context>
chip_gen: v7x
topology: tpu7x:2x2x1
jax: 0.10.2.dev20260603
libtpu: 0.0.44.dev20260713+nightly
codegen_flags: <defaults>
</compile_context>

<pallas_src>
import functools

import jax
import jax.numpy as jnp
from jax import lax
from jax.experimental import pallas as pl
from jax.experimental.pallas import tpu as pltpu
from jax.experimental.pallas import tpu_sc as plsc

_WORKER = 1000
_TASK = 20000
_ET = 2
_AB = 128
_WPAD = 1024

_mesh = plsc.VectorSubcoreMesh(core_axis_name="c", subcore_axis_name="s")


def _tc_body(b_ref, wf_ref, w_ref, lp2_ref, d_ref):
    z = jnp.dot(wf_ref[...], w_ref[...],
                preferred_element_type=jnp.float32) + b_ref[0]
    s = jax.nn.sigmoid(z)
    lp1 = jnp.maximum(jnp.log(s), -1e10)
    lp2 = jnp.maximum(jnp.log(1.0 - s), -1e10)
    lp2_ref[...] = jnp.broadcast_to(lp2, (_WPAD, 16))
    d_ref[...] = jnp.broadcast_to(lp1 - lp2, (_WPAD, 16))


@functools.partial(
    pl.kernel,
    mesh=_mesh,
    out_type=jax.ShapeDtypeStruct((_WORKER, _ET, _TASK), jnp.float32),
    scratch_types=[
        pltpu.VMEM((_ET, _TASK), jnp.float32),
        pltpu.VMEM((32, 16), jnp.float32),
        pltpu.VMEM((32, 16), jnp.float32),
        pltpu.VMEM((_ET, _TASK), jnp.float32),
        pltpu.VMEM((_ET, _TASK), jnp.float32),
        pltpu.SemaphoreType.DMA,
        pltpu.SemaphoreType.DMA,
    ],
)
def _sc_body(tau_hbm, lp2_hbm, d_hbm, out_hbm, tau_v, lp2_v, d_v, bufa, bufb,
             sema, semb):
    wid = lax.axis_index("s") * 2 + lax.axis_index("c")
    start = 8 * (wid * 4 - jnp.maximum(wid - 29, 0))
    cnt = jnp.where(wid < 29, 32, 24)
    pltpu.sync_copy(tau_hbm, tau_v)
    pltpu.sync_copy(lp2_hbm.at[pl.ds(start, 32)], lp2_v)
    pltpu.sync_copy(d_hbm.at[pl.ds(start, 32)], d_v)

    def compute_row(w, buf):
        lp2v = lp2_v[w]
        dv = d_v[w]

        @plsc.parallel_loop(0, _TASK // 16, unroll=8)
        def chunk(c):
            o = c * 16
            buf[0, pl.ds(o, 16)] = jnp.exp(lp2v + tau_v[0, pl.ds(o, 16)] * dv)
            buf[1, pl.ds(o, 16)] = jnp.exp(lp2v + tau_v[1, pl.ds(o, 16)] * dv)

    def pair(p, carry):
        w0 = 2 * p

        @pl.when(p > 0)
        def _():
            pltpu.make_async_copy(bufa, out_hbm.at[start + w0 - 2], sema).wait()

        compute_row(w0, bufa)
        pltpu.make_async_copy(bufa, out_hbm.at[start + w0], sema).start()

        @pl.when(p > 0)
        def _():
            pltpu.make_async_copy(bufb, out_hbm.at[start + w0 - 1], semb).wait()

        compute_row(w0 + 1, bufb)
        pltpu.make_async_copy(bufb, out_hbm.at[start + w0 + 1], semb).start()
        return carry

    lax.fori_loop(0, cnt // 2, pair, 0)
    pltpu.make_async_copy(bufa, out_hbm.at[start + cnt - 2], sema).wait()
    pltpu.make_async_copy(bufb, out_hbm.at[start + cnt - 1], semb).wait()


def kernel(inputs, W, b, P0):
    wf = jnp.pad(inputs[:_WORKER], ((0, _WPAD - _WORKER), (0, 0)))
    tau = inputs[_WORKER:, :_ET].T
    lp2b, db = pl.pallas_call(
        _tc_body,
        in_specs=[
            pl.BlockSpec(memory_space=pltpu.SMEM),
            pl.BlockSpec((_WPAD, _AB), lambda: (0, 0)),
            pl.BlockSpec((_AB, 1), lambda: (0, 0)),
        ],
        out_specs=[
            pl.BlockSpec((_WPAD, 16), lambda: (0, 0)),
            pl.BlockSpec((_WPAD, 16), lambda: (0, 0)),
        ],
        out_shape=[
            jax.ShapeDtypeStruct((_WPAD, 16), jnp.float32),
            jax.ShapeDtypeStruct((_WPAD, 16), jnp.float32),
        ],
    )(b, wf, W)
    out = _sc_body(tau, lp2b, db)
    return out.transpose(0, 2, 1)

# --- scband reference (transcript-rebuilt; emitter-appended) ---
"""Pipeline reference for scband-decoder-9139690405992 (READ-ONLY COPY).

The authoritative reference and input builder live on the scoring server;
editing this copy changes nothing except your own understanding.
"""

import jax, jax.numpy as jnp
import numpy as np

WORKER_NUM = 1000
TASK_NUM = 20000
ABILITY_NUM = 128
EDGE_TYPE = 2


def setup_inputs(seed: int = 0) -> dict:
    key = jax.random.key(seed)
    k1, k2, k3, k4 = jax.random.split(key, 4)
    # forward input: stacked worker features then task features
    inputs = jax.random.uniform(k1, (WORKER_NUM + TASK_NUM, ABILITY_NUM), dtype=jnp.float32)
    # learned params per __init__: W [ability_num, 1], b [1]
    W = jax.random.normal(k2, (ABILITY_NUM, 1), dtype=jnp.float32)
    b = jax.random.normal(k3, (1,), dtype=jnp.float32)
    # self.P buffer: random normal [input_dim[0], input_dim[1], 2]
    P0 = jax.random.normal(k4, (WORKER_NUM, TASK_NUM, 2), dtype=jnp.float32)
    return {"inputs": inputs, "W": W, "b": b, "P0": P0}


def reference(inputs, W, b, P0):
    # worker_feature = inputs[0:worker_num, 0:ability_num]
    worker_feature = inputs[:WORKER_NUM, :ABILITY_NUM]
    # task_feature = inputs[worker_num:, 0:edge_type]  (tau probabilities per task/label)
    task_feature = inputs[WORKER_NUM:WORKER_NUM + TASK_NUM, :EDGE_TYPE]
    # prob_part1 = sigmoid(worker_feature . W + b)  -> per-worker scalar ability prob
    prob_part1 = jax.nn.sigmoid(worker_feature @ W + b)  # [worker_num, 1]
    # prob_part2 = (1 - prob_part1) / (edge_type - 1)
    prob_part2 = (1.0 - prob_part1) / float(EDGE_TYPE - 1)  # [worker_num, 1]
    tau = task_feature[None, :, :]            # [1, task_num, edge_type]
    p1 = prob_part1[:, None, :]               # [worker_num, 1, 1]
    p2 = prob_part2[:, None, :]               # [worker_num, 1, 1]
    # P[i, j, l] = prob_part1^tau * prob_part2^(1 - tau)  (vectorized triple while_loop)
    vals = jnp.power(p1, tau) * jnp.power(p2, 1.0 - tau)  # [worker_num, task_num, edge_type]
    # scatter-overwrite into the P memory buffer
    P = P0.at[:WORKER_NUM, :TASK_NUM, :EDGE_TYPE].set(vals)
    return P

if __name__ == "__main__":
    import jax
    _d = setup_inputs()
    print(jax.jit(kernel)(*tuple(_d.values())))

</pallas_src>

<mosaic_0001>
#map = affine_map<(d0, d1) -> (0, 0)>
#map1 = affine_map<(d0, d1) -> (0, 0, 0)>
module attributes {stable_mosaic.version = 14 : i64} {
  func.func @_sc_body(%arg0: i32, %arg1: i32, %arg2: memref<2x20000xf32, #tpu.memory_space<hbm>>, %arg3: memref<1024x16xf32, #tpu.memory_space<hbm>>, %arg4: memref<1024x16xf32, #tpu.memory_space<hbm>>, %arg5: memref<1000x2x20000xf32, #tpu.memory_space<hbm>>, %arg6: memref<2x20000xf32, #tpu.memory_space<vmem>>, %arg7: memref<32x16xf32, #tpu.memory_space<vmem>>, %arg8: memref<32x16xf32, #tpu.memory_space<vmem>>, %arg9: memref<2x20000xf32, #tpu.memory_space<vmem>>, %arg10: memref<2x20000xf32, #tpu.memory_space<vmem>>, %arg11: memref<!tpu.dma_semaphore, #tpu.memory_space<semaphore_mem>>, %arg12: memref<!tpu.dma_semaphore, #tpu.memory_space<semaphore_mem>>) attributes {dimension_semantics = [#tpu.dimension_semantics<core_parallel>, #tpu.dimension_semantics<subcore_parallel>], iteration_bounds = array<i64: 2, 16>, scalar_prefetch = 0 : i64, scratch_operands = 7 : i64, tpu.core_type = #tpu.core_type<sc_vector_subcore>, window_params = [{transform_indices = #map}, {transform_indices = #map}, {transform_indices = #map}, {transform_indices = #map1}]} {
    %mul3A = arith.constant 2 : i32
    %mul3A_0 = arith.muli %arg1, %mul3A : i32
    %add3A = arith.addi %mul3A_0, %arg0 : i32
    %mul3A_1 = arith.constant 4 : i32
    %mul3A_2 = arith.muli %add3A, %mul3A_1 : i32
    %sub3A = arith.constant 29 : i32
    %sub3A_3 = arith.subi %add3A, %sub3A : i32
    %max3A = arith.constant 0 : i32
    %max3A_4 = arith.maxsi %sub3A_3, %max3A : i32
    %sub3A_5 = arith.subi %mul3A_2, %max3A_4 : i32
    %mul3A_6 = arith.constant 8 : i32
    %mul3A_7 = arith.muli %mul3A_6, %sub3A_5 : i32
    %lt3A = arith.constant 29 : i32
    %lt3A_8 = arith.cmpi slt, %add3A, %lt3A : i32
    %jit3A = arith.constant 32 : i32
    %jit3A_9 = arith.constant 24 : i32
    %select_n3A = arith.select %lt3A_8, %jit3A, %jit3A_9 : i32
    "tpu.region"() ({
      %run_scoped3A = tpu.sem_alloc : memref<!tpu.dma_semaphore, #tpu.memory_space<semaphore_mem>>
      tpu.enqueue_dma source(%arg2 : memref<2x20000xf32, #tpu.memory_space<hbm>>) target(%arg6 : memref<2x20000xf32, #tpu.memory_space<vmem>>) target_semaphore(%run_scoped3A : memref<!tpu.dma_semaphore, #tpu.memory_space<semaphore_mem>>)
      tpu.wait_dma2 semaphore(%run_scoped3A : memref<!tpu.dma_semaphore, #tpu.memory_space<semaphore_mem>>) src(%arg2 : memref<2x20000xf32, #tpu.memory_space<hbm>>) dst(%arg6 : memref<2x20000xf32, #tpu.memory_space<vmem>>)
      tpu.yield
    }) : () -> ()
    "tpu.region"() ({
      %run_scoped3A = tpu.sem_alloc : memref<!tpu.dma_semaphore, #tpu.memory_space<semaphore_mem>>
      %dma_start3A = arith.constant 0 : i32
      %dma_start3A_59 = tpu.memref_slice %arg3[%mul3A_7, %dma_start3A] : memref<1024x16xf32, #tpu.memory_space<hbm>> -> memref<32x16xf32, #tpu.memory_space<hbm>>
      %dma_start3A_60 = arith.constant 0 : i32
      %dma_start3A_61 = tpu.memref_slice %arg3[%mul3A_7, %dma_start3A_60] : memref<1024x16xf32, #tpu.memory_space<hbm>> -> memref<32x16xf32, #tpu.memory_space<hbm>>
      tpu.enqueue_dma source(%dma_start3A_61 : memref<32x16xf32, #tpu.memory_space<hbm>>) target(%arg7 : memref<32x16xf32, #tpu.memory_space<vmem>>) target_semaphore(%run_scoped3A : memref<!tpu.dma_semaphore, #tpu.memory_space<semaphore_mem>>)
      %dma_wait3A_62 = arith.constant 0 : i32
      %dma_wait3A_63 = tpu.memref_slice %arg3[%mul3A_7, %dma_wait3A_62] : memref<1024x16xf32, #tpu.memory_space<hbm>> -> memref<32x16xf32, #tpu.memory_space<hbm>>
      %dma_wait3A_64 = arith.constant 0 : i32
      %dma_wait3A_65 = tpu.memref_slice %arg3[%mul3A_7, %dma_wait3A_64] : memref<1024x16xf32, #tpu.memory_space<hbm>> -> memref<32x16xf32, #tpu.memory_space<hbm>>
      tpu.wait_dma2 semaphore(%run_scoped3A : memref<!tpu.dma_semaphore, #tpu.memory_space<semaphore_mem>>) src(%dma_wait3A_65 : memref<32x16xf32, #tpu.memory_space<hbm>>) dst(%arg7 : memref<32x16xf32, #tpu.memory_space<vmem>>)
      tpu.yield
    }) : () -> ()
    "tpu.region"() ({
      %run_scoped3A = tpu.sem_alloc : memref<!tpu.dma_semaphore, #tpu.memory_space<semaphore_mem>>
      %dma_start3A = arith.constant 0 : i32
      %dma_start3A_59 = tpu.memref_slice %arg4[%mul3A_7, %dma_start3A] : memref<1024x16xf32, #tpu.memory_space<hbm>> -> memref<32x16xf32, #tpu.memory_space<hbm>>
      %dma_start3A_60 = arith.constant 0 : i32
      %dma_start3A_61 = tpu.memref_slice %arg4[%mul3A_7, %dma_start3A_60] : memref<1024x16xf32, #tpu.memory_space<hbm>> -> memref<32x16xf32, #tpu.memory_space<hbm>>
      tpu.enqueue_dma source(%dma_start3A_61 : memref<32x16xf32, #tpu.memory_space<hbm>>) target(%arg8 : memref<32x16xf32, #tpu.memory_space<vmem>>) target_semaphore(%run_scoped3A : memref<!tpu.dma_semaphore, #tpu.memory_space<semaphore_mem>>)
      %dma_wait3A_62 = arith.constant 0 : i32
      %dma_wait3A_63 = tpu.memref_slice %arg4[%mul3A_7, %dma_wait3A_62] : memref<1024x16xf32, #tpu.memory_space<hbm>> -> memref<32x16xf32, #tpu.memory_space<hbm>>
      %dma_wait3A_64 = arith.constant 0 : i32
      %dma_wait3A_65 = tpu.memref_slice %arg4[%mul3A_7, %dma_wait3A_64] : memref<1024x16xf32, #tpu.memory_space<hbm>> -> memref<32x16xf32, #tpu.memory_space<hbm>>
      tpu.wait_dma2 semaphore(%run_scoped3A : memref<!tpu.dma_semaphore, #tpu.memory_space<semaphore_mem>>) src(%dma_wait3A_65 : memref<32x16xf32, #tpu.memory_space<hbm>>) dst(%arg8 : memref<32x16xf32, #tpu.memory_space<vmem>>)
      tpu.yield
    }) : () -> ()
    %jit3A_10 = arith.constant 2 : i32
    %div3A = arith.divsi %select_n3A, %jit3A_10 : i32
    %sign3A = arith.constant 0 : i32
    %sign3A_11 = arith.cmpi sgt, %select_n3A, %sign3A : i32
    %sign3A_12 = arith.extui %sign3A_11 : i1 to i32
    %sign3A_13 = arith.constant 0 : i32
    %sign3A_14 = arith.cmpi slt, %select_n3A, %sign3A_13 : i32
    %sign3A_15 = arith.extui %sign3A_14 : i1 to i32
    %sign3A_16 = arith.subi %sign3A_12, %sign3A_15 : i32
    %sign3A_17 = arith.constant 0 : i32
    %sign3A_18 = arith.cmpi sgt, %jit3A_10, %sign3A_17 : i32
    %sign3A_19 = arith.extui %sign3A_18 : i1 to i32
    %sign3A_20 = arith.constant 0 : i32
    %sign3A_21 = arith.cmpi slt, %jit3A_10, %sign3A_20 : i32
    %sign3A_22 = arith.extui %sign3A_21 : i1 to i32
    %sign3A_23 = arith.subi %sign3A_19, %sign3A_22 : i32
    %ne3A = arith.cmpi ne, %sign3A_16, %sign3A_23 : i32
    %rem3A = arith.remsi %select_n3A, %jit3A_10 : i32
    %ne3A_24 = arith.constant 0 : i32
    %ne3A_25 = arith.cmpi ne, %rem3A, %ne3A_24 : i32
    %and3A = arith.andi %ne3A, %ne3A_25 : i1
    %sub3A_26 = arith.constant 1 : i32
    %sub3A_27 = arith.subi %div3A, %sub3A_26 : i32
    %select_n3A_28 = arith.select %and3A, %sub3A_27, %div3A : i32
    %while3A = arith.constant 0 : i32
    %while3A_29 = arith.constant 0 : i32
    %while3A_30 = arith.subi %select_n3A_28, %while3A_29 : i32
    %while3A_31 = arith.addi %while3A_29, %while3A_30 : i32
    %while3A_32 = arith.constant 1 : i32
    %while3A_33 = arith.divsi %while3A_30, %while3A_32 : i32
    %while3A_34 = arith.muli %while3A_33, %while3A_32 : i32
    %while3A_35 = arith.addi %while3A_29, %while3A_34 : i32
    %while3A_36 = arith.constant 1 : i32
    scf.for %while3A_59 = %while3A_29 to %while3A_35 step %while3A_36  : i32 {
      %mul3A_60 = arith.constant 2 : i32
      %mul3A_61 = arith.muli %mul3A_60, %while3A_59 : i32
      %gt3A = arith.constant 0 : i32
      %gt3A_62 = arith.cmpi sgt, %while3A_59, %gt3A : i32
      %convert_element_type3A = arith.extui %gt3A_62 : i1 to i32
      %cond3A = arith.constant 0 : i32
      %cond3A_63 = arith.cmpi ne, %convert_element_type3A, %cond3A : i32
      scf.if %cond3A_63 {
        %add3A_110 = arith.addi %mul3A_7, %mul3A_61 : i32
        %sub3A_111 = arith.constant 2 : i32
        %sub3A_112 = arith.subi %add3A_110, %sub3A_111 : i32
        %dma_wait3A_113 = arith.constant 0 : i32
        %dma_wait3A_114 = arith.constant 0 : i32
        %dma_wait3A_115 = tpu.memref_slice %arg5[%sub3A_112, %dma_wait3A_113, %dma_wait3A_114] : memref<1000x2x20000xf32, #tpu.memory_space<hbm>> -> memref<1x2x20000xf32, #tpu.memory_space<hbm>>
        %dma_wait3A_116 = tpu.memref_squeeze %dma_wait3A_115 : memref<1x2x20000xf32, #tpu.memory_space<hbm>> -> memref<2x20000xf32, #tpu.memory_space<hbm>>
        %dma_wait3A_117 = arith.constant 0 : i32
        %dma_wait3A_118 = arith.constant 0 : i32
        %dma_wait3A_119 = tpu.memref_slice %arg5[%sub3A_112, %dma_wait3A_117, %dma_wait3A_118] : memref<1000x2x20000xf32, #tpu.memory_space<hbm>> -> memref<1x2x20000xf32, #tpu.memory_space<hbm>>
        %dma_wait3A_120 = tpu.memref_squeeze %dma_wait3A_119 : memref<1x2x20000xf32, #tpu.memory_space<hbm>> -> memref<2x20000xf32, #tpu.memory_space<hbm>>
        tpu.wait_dma2 semaphore(%arg11 : memref<!tpu.dma_semaphore, #tpu.memory_space<semaphore_mem>>) src(%arg9 : memref<2x20000xf32, #tpu.memory_space<vmem>>) dst(%dma_wait3A_120 : memref<2x20000xf32, #tpu.memory_space<hbm>>)
      } else {
      }
      %get3A = arith.index_cast %mul3A_61 : i32 to index
      %get3A_64 = arith.constant 0 : index
      %get3A_65 = tpu.vector_load %arg7[%get3A, %get3A_64] {strides = array<i32>} : memref<32x16xf32, #tpu.memory_space<vmem>>, vector<1x16xf32>,
      %get3A_66 = vector.shape_cast %get3A_65 : vector<1x16xf32> to vector<16xf32>
      %get3A_67 = arith.index_cast %mul3A_61 : i32 to index
      %get3A_68 = arith.constant 0 : index
      %get3A_69 = tpu.vector_load %arg8[%get3A_67, %get3A_68] {strides = array<i32>} : memref<32x16xf32, #tpu.memory_space<vmem>>, vector<1x16xf32>,
      %get3A_70 = vector.shape_cast %get3A_69 : vector<1x16xf32> to vector<16xf32>
      %parallel_loop3A = arith.constant 0 : i32
      %parallel_loop3A_71 = arith.constant 1250 : i32
      %parallel_loop3A_72 = arith.constant 1 : i32
      scf.for %parallel_loop3A_110 = %parallel_loop3A to %parallel_loop3A_71 step %parallel_loop3A_72  : i32 {
        %parallel_loop3A_111 = arith.constant 16 : i32
        %parallel_loop3A_112 = arith.muli %parallel_loop3A_110, %parallel_loop3A_111 : i32
        %parallel_loop3A_113 = arith.constant 0 : i32
        %parallel_loop3A_114 = arith.index_cast %parallel_loop3A_113 : i32 to index
        %parallel_loop3A_115 = arith.index_cast %parallel_loop3A_112 : i32 to index
        %parallel_loop3A_116 = tpu.vector_load %arg6[%parallel_loop3A_114, %parallel_loop3A_115] {strides = array<i32>} : memref<2x20000xf32, #tpu.memory_space<vmem>>, vector<1x16xf32>,
        %parallel_loop3A_117 = vector.shape_cast %parallel_loop3A_116 : vector<1x16xf32> to vector<16xf32>
        %parallel_loop3A_118 = arith.mulf %parallel_loop3A_117, %get3A_70 : vector<16xf32>
        %parallel_loop3A_119 = arith.addf %get3A_66, %parallel_loop3A_118 : vector<16xf32>
        %parallel_loop3A_120 = math.exp %parallel_loop3A_119 : vector<16xf32>
        %parallel_loop3A_121 = arith.constant 0 : i32
        %parallel_loop3A_122 = arith.index_cast %parallel_loop3A_121 : i32 to index
        %parallel_loop3A_123 = arith.index_cast %parallel_loop3A_112 : i32 to index
        %parallel_loop3A_124 = tpu.vector_load %arg9[%parallel_loop3A_122, %parallel_loop3A_123] {strides = array<i32>} : memref<2x20000xf32, #tpu.memory_space<vmem>>, vector<1x16xf32>,
        %parallel_loop3A_125 = vector.shape_cast %parallel_loop3A_124 : vector<1x16xf32> to vector<16xf32>
        %parallel_loop3A_126 = vector.shape_cast %parallel_loop3A_120 : vector<16xf32> to vector<1x16xf32>
        tpu.vector_store %arg9[%parallel_loop3A_122, %parallel_loop3A_123], %parallel_loop3A_126 {strides = array<i32>} : memref<2x20000xf32, #tpu.memory_space<vmem>>, vector<1x16xf32>,
        %parallel_loop3A_127 = arith.constant 1 : i32
        %parallel_loop3A_128 = arith.index_cast %parallel_loop3A_127 : i32 to index
        %parallel_loop3A_129 = arith.index_cast %parallel_loop3A_112 : i32 to index
        %parallel_loop3A_130 = tpu.vector_load %arg6[%parallel_loop3A_128, %parallel_loop3A_129] {strides = array<i32>} : memref<2x20000xf32, #tpu.memory_space<vmem>>, vector<1x16xf32>,
        %parallel_loop3A_131 = vector.shape_cast %parallel_loop3A_130 : vector<1x16xf32> to vector<16xf32>
        %parallel_loop3A_132 = arith.mulf %parallel_loop3A_131, %get3A_70 : vector<16xf32>
        %parallel_loop3A_133 = arith.addf %get3A_66, %parallel_loop3A_132 : vector<16xf32>
        %parallel_loop3A_134 = math.exp %parallel_loop3A_133 : vector<16xf32>
        %parallel_loop3A_135 = arith.constant 1 : i32
        %parallel_loop3A_136 = arith.index_cast %parallel_loop3A_135 : i32 to index
        %parallel_loop3A_137 = arith.index_cast %parallel_loop3A_112 : i32 to index
        %parallel_loop3A_138 = tpu.vector_load %arg9[%parallel_loop3A_136, %parallel_loop3A_137] {strides = array<i32>} : memref<2x20000xf32, #tpu.memory_space<vmem>>, vector<1x16xf32>,
        %parallel_loop3A_139 = vector.shape_cast %parallel_loop3A_138 : vector<1x16xf32> to vector<16xf32>
        %parallel_loop3A_140 = vector.shape_cast %parallel_loop3A_134 : vector<16xf32> to vector<1x16xf32>
        tpu.vector_store %arg9[%parallel_loop3A_136, %parallel_loop3A_137], %parallel_loop3A_140 {strides = array<i32>} : memref<2x20000xf32, #tpu.memory_space<vmem>>, vector<1x16xf32>,
      } {sc.loop_unroll_factor = 8 : i64, sc.parallel_access}
      %add3A_73 = arith.addi %mul3A_7, %mul3A_61 : i32
      %dma_start3A = arith.constant 0 : i32
      %dma_start3A_74 = arith.constant 0 : i32
      %dma_start3A_75 = tpu.memref_slice %arg5[%add3A_73, %dma_start3A, %dma_start3A_74] : memref<1000x2x20000xf32, #tpu.memory_space<hbm>> -> memref<1x2x20000xf32, #tpu.memory_space<hbm>>
      %dma_start3A_76 = tpu.memref_squeeze %dma_start3A_75 : memref<1x2x20000xf32, #tpu.memory_space<hbm>> -> memref<2x20000xf32, #tpu.memory_space<hbm>>
      %dma_start3A_77 = arith.constant 0 : i32
      %dma_start3A_78 = arith.constant 0 : i32
      %dma_start3A_79 = tpu.memref_slice %arg5[%add3A_73, %dma_start3A_77, %dma_start3A_78] : memref<1000x2x20000xf32, #tpu.memory_space<hbm>> -> memref<1x2x20000xf32, #tpu.memory_space<hbm>>
      %dma_start3A_80 = tpu.memref_squeeze %dma_start3A_79 : memref<1x2x20000xf32, #tpu.memory_space<hbm>> -> memref<2x20000xf32, #tpu.memory_space<hbm>>
      tpu.enqueue_dma source(%arg9 : memref<2x20000xf32, #tpu.memory_space<vmem>>) target(%dma_start3A_80 : memref<2x20000xf32, #tpu.memory_space<hbm>>) target_semaphore(%arg11 : memref<!tpu.dma_semaphore, #tpu.memory_space<semaphore_mem>>)
      %gt3A_81 = arith.constant 0 : i32
      %gt3A_82 = arith.cmpi sgt, %while3A_59, %gt3A_81 : i32
      %convert_element_type3A_83 = arith.extui %gt3A_82 : i1 to i32
      %cond3A_84 = arith.constant 0 : i32
      %cond3A_85 = arith.cmpi ne, %convert_element_type3A_83, %cond3A_84 : i32
      scf.if %cond3A_85 {
        %add3A_110 = arith.addi %mul3A_7, %mul3A_61 : i32
        %sub3A_111 = arith.constant 1 : i32
        %sub3A_112 = arith.subi %add3A_110, %sub3A_111 : i32
        %dma_wait3A_113 = arith.constant 0 : i32
        %dma_wait3A_114 = arith.constant 0 : i32
        %dma_wait3A_115 = tpu.memref_slice %arg5[%sub3A_112, %dma_wait3A_113, %dma_wait3A_114] : memref<1000x2x20000xf32, #tpu.memory_space<hbm>> -> memref<1x2x20000xf32, #tpu.memory_space<hbm>>
        %dma_wait3A_116 = tpu.memref_squeeze %dma_wait3A_115 : memref<1x2x20000xf32, #tpu.memory_space<hbm>> -> memref<2x20000xf32, #tpu.memory_space<hbm>>
        %dma_wait3A_117 = arith.constant 0 : i32
        %dma_wait3A_118 = arith.constant 0 : i32
        %dma_wait3A_119 = tpu.memref_slice %arg5[%sub3A_112, %dma_wait3A_117, %dma_wait3A_118] : memref<1000x2x20000xf32, #tpu.memory_space<hbm>> -> memref<1x2x20000xf32, #tpu.memory_space<hbm>>
        %dma_wait3A_120 = tpu.memref_squeeze %dma_wait3A_119 : memref<1x2x20000xf32, #tpu.memory_space<hbm>> -> memref<2x20000xf32, #tpu.memory_space<hbm>>
        tpu.wait_dma2 semaphore(%arg12 : memref<!tpu.dma_semaphore, #tpu.memory_space<semaphore_mem>>) src(%arg10 : memref<2x20000xf32, #tpu.memory_space<vmem>>) dst(%dma_wait3A_120 : memref<2x20000xf32, #tpu.memory_space<hbm>>)
      } else {
      }
      %add3A_86 = arith.constant 1 : i32
      %add3A_87 = arith.addi %mul3A_61, %add3A_86 : i32
      %get3A_88 = arith.index_cast %add3A_87 : i32 to index
      %get3A_89 = arith.constant 0 : index
      %get3A_90 = tpu.vector_load %arg7[%get3A_88, %get3A_89] {strides = array<i32>} : memref<32x16xf32, #tpu.memory_space<vmem>>, vector<1x16xf32>,
      %get3A_91 = vector.shape_cast %get3A_90 : vector<1x16xf32> to vector<16xf32>
      %get3A_92 = arith.index_cast %add3A_87 : i32 to index
      %get3A_93 = arith.constant 0 : index
      %get3A_94 = tpu.vector_load %arg8[%get3A_92, %get3A_93] {strides = array<i32>} : memref<32x16xf32, #tpu.memory_space<vmem>>, vector<1x16xf32>,
      %get3A_95 = vector.shape_cast %get3A_94 : vector<1x16xf32> to vector<16xf32>
      %parallel_loop3A_96 = arith.constant 0 : i32
      %parallel_loop3A_97 = arith.constant 1250 : i32
      %parallel_loop3A_98 = arith.constant 1 : i32
      scf.for %parallel_loop3A_110 = %parallel_loop3A_96 to %parallel_loop3A_97 step %parallel_loop3A_98  : i32 {
        %parallel_loop3A_111 = arith.constant 16 : i32
        %parallel_loop3A_112 = arith.muli %parallel_loop3A_110, %parallel_loop3A_111 : i32
        %parallel_loop3A_113 = arith.constant 0 : i32
        %parallel_loop3A_114 = arith.index_cast %parallel_loop3A_113 : i32 to index
        %parallel_loop3A_115 = arith.index_cast %parallel_loop3A_112 : i32 to index
        %parallel_loop3A_116 = tpu.vector_load %arg6[%parallel_loop3A_114, %parallel_loop3A_115] {strides = array<i32>} : memref<2x20000xf32, #tpu.memory_space<vmem>>, vector<1x16xf32>,
        %parallel_loop3A_117 = vector.shape_cast %parallel_loop3A_116 : vector<1x16xf32> to vector<16xf32>
        %parallel_loop3A_118 = arith.mulf %parallel_loop3A_117, %get3A_95 : vector<16xf32>
        %parallel_loop3A_119 = arith.addf %get3A_91, %parallel_loop3A_118 : vector<16xf32>
        %parallel_loop3A_120 = math.exp %parallel_loop3A_119 : vector<16xf32>
        %parallel_loop3A_121 = arith.constant 0 : i32
        %parallel_loop3A_122 = arith.index_cast %parallel_loop3A_121 : i32 to index
        %parallel_loop3A_123 = arith.index_cast %parallel_loop3A_112 : i32 to index
        %parallel_loop3A_124 = tpu.vector_load %arg10[%parallel_loop3A_122, %parallel_loop3A_123] {strides = array<i32>} : memref<2x20000xf32, #tpu.memory_space<vmem>>, vector<1x16xf32>,
        %parallel_loop3A_125 = vector.shape_cast %parallel_loop3A_124 : vector<1x16xf32> to vector<16xf32>
        %parallel_loop3A_126 = vector.shape_cast %parallel_loop3A_120 : vector<16xf32> to vector<1x16xf32>
        tpu.vector_store %arg10[%parallel_loop3A_122, %parallel_loop3A_123], %parallel_loop3A_126 {strides = array<i32>} : memref<2x20000xf32, #tpu.memory_space<vmem>>, vector<1x16xf32>,
        %parallel_loop3A_127 = arith.constant 1 : i32
        %parallel_loop3A_128 = arith.index_cast %parallel_loop3A_127 : i32 to index
        %parallel_loop3A_129 = arith.index_cast %parallel_loop3A_112 : i32 to index
        %parallel_loop3A_130 = tpu.vector_load %arg6[%parallel_loop3A_128, %parallel_loop3A_129] {strides = array<i32>} : memref<2x20000xf32, #tpu.memory_space<vmem>>, vector<1x16xf32>,
        %parallel_loop3A_131 = vector.shape_cast %parallel_loop3A_130 : vector<1x16xf32> to vector<16xf32>
        %parallel_loop3A_132 = arith.mulf %parallel_loop3A_131, %get3A_95 : vector<16xf32>
        %parallel_loop3A_133 = arith.addf %get3A_91, %parallel_loop3A_132 : vector<16xf32>
        %parallel_loop3A_134 = math.exp %parallel_loop3A_133 : vector<16xf32>
        %parallel_loop3A_135 = arith.constant 1 : i32
        %parallel_loop3A_136 = arith.index_cast %parallel_loop3A_135 : i32 to index
        %parallel_loop3A_137 = arith.index_cast %parallel_loop3A_112 : i32 to index
        %parallel_loop3A_138 = tpu.vector_load %arg10[%parallel_loop3A_136, %parallel_loop3A_137] {strides = array<i32>} : memref<2x20000xf32, #tpu.memory_space<vmem>>, vector<1x16xf32>,
        %parallel_loop3A_139 = vector.shape_cast %parallel_loop3A_138 : vector<1x16xf32> to vector<16xf32>
        %parallel_loop3A_140 = vector.shape_cast %parallel_loop3A_134 : vector<16xf32> to vector<1x16xf32>
        tpu.vector_store %arg10[%parallel_loop3A_136, %parallel_loop3A_137], %parallel_loop3A_140 {strides = array<i32>} : memref<2x20000xf32, #tpu.memory_space<vmem>>, vector<1x16xf32>,
      } {sc.loop_unroll_factor = 8 : i64, sc.parallel_access}
      %add3A_99 = arith.addi %mul3A_7, %mul3A_61 : i32
      %add3A_100 = arith.constant 1 : i32
      %add3A_101 = arith.addi %add3A_99, %add3A_100 : i32
      %dma_start3A_102 = arith.constant 0 : i32
      %dma_start3A_103 = arith.constant 0 : i32
      %dma_start3A_104 = tpu.memref_slice %arg5[%add3A_101, %dma_start3A_102, %dma_start3A_103] : memref<1000x2x20000xf32, #tpu.memory_space<hbm>> -> memref<1x2x20000xf32, #tpu.memory_space<hbm>>
      %dma_start3A_105 = tpu.memref_squeeze %dma_start3A_104 : memref<1x2x20000xf32, #tpu.memory_space<hbm>> -> memref<2x20000xf32, #tpu.memory_space<hbm>>
      %dma_start3A_106 = arith.constant 0 : i32
      %dma_start3A_107 = arith.constant 0 : i32
      %dma_start3A_108 = tpu.memref_slice %arg5[%add3A_101, %dma_start3A_106, %dma_start3A_107] : memref<1000x2x20000xf32, #tpu.memory_space<hbm>> -> memref<1x2x20000xf32, #tpu.memory_space<hbm>>
      %dma_start3A_109 = tpu.memref_squeeze %dma_start3A_108 : memref<1x2x20000xf32, #tpu.memory_space<hbm>> -> memref<2x20000xf32, #tpu.memory_space<hbm>>
      tpu.enqueue_dma source(%arg10 : memref<2x20000xf32, #tpu.memory_space<vmem>>) target(%dma_start3A_109 : memref<2x20000xf32, #tpu.memory_space<hbm>>) target_semaphore(%arg12 : memref<!tpu.dma_semaphore, #tpu.memory_space<semaphore_mem>>)
    }
    %while3A_37 = arith.constant 1 : i32
    scf.for %while3A_59 = %while3A_35 to %while3A_31 step %while3A_37  : i32 {
      %mul3A_60 = arith.constant 2 : i32
      %mul3A_61 = arith.muli %mul3A_60, %while3A_59 : i32
      %gt3A = arith.constant 0 : i32
      %gt3A_62 = arith.cmpi sgt, %while3A_59, %gt3A : i32
      %convert_element_type3A = arith.extui %gt3A_62 : i1 to i32
      %cond3A = arith.constant 0 : i32
      %cond3A_63 = arith.cmpi ne, %convert_element_type3A, %cond3A : i32
      scf.if %cond3A_63 {
        %add3A_110 = arith.addi %mul3A_7, %mul3A_61 : i32
        %sub3A_111 = arith.constant 2 : i32
        %sub3A_112 = arith.subi %add3A_110, %sub3A_111 : i32
        %dma_wait3A_113 = arith.constant 0 : i32
        %dma_wait3A_114 = arith.constant 0 : i32
        %dma_wait3A_115 = tpu.memref_slice %arg5[%sub3A_112, %dma_wait3A_113, %dma_wait3A_114] : memref<1000x2x20000xf32, #tpu.memory_space<hbm>> -> memref<1x2x20000xf32, #tpu.memory_space<hbm>>
        %dma_wait3A_116 = tpu.memref_squeeze %dma_wait3A_115 : memref<1x2x20000xf32, #tpu.memory_space<hbm>> -> memref<2x20000xf32, #tpu.memory_space<hbm>>
        %dma_wait3A_117 = arith.constant 0 : i32
        %dma_wait3A_118 = arith.constant 0 : i32
        %dma_wait3A_119 = tpu.memref_slice %arg5[%sub3A_112, %dma_wait3A_117, %dma_wait3A_118] : memref<1000x2x20000xf32, #tpu.memory_space<hbm>> -> memref<1x2x20000xf32, #tpu.memory_space<hbm>>
        %dma_wait3A_120 = tpu.memref_squeeze %dma_wait3A_119 : memref<1x2x20000xf32, #tpu.memory_space<hbm>> -> memref<2x20000xf32, #tpu.memory_space<hbm>>
        tpu.wait_dma2 semaphore(%arg11 : memref<!tpu.dma_semaphore, #tpu.memory_space<semaphore_mem>>) src(%arg9 : memref<2x20000xf32, #tpu.memory_space<vmem>>) dst(%dma_wait3A_120 : memref<2x20000xf32, #tpu.memory_space<hbm>>)
      } else {
      }
      %get3A = arith.index_cast %mul3A_61 : i32 to index
      %get3A_64 = arith.constant 0 : index
      %get3A_65 = tpu.vector_load %arg7[%get3A, %get3A_64] {strides = array<i32>} : memref<32x16xf32, #tpu.memory_space<vmem>>, vector<1x16xf32>,
      %get3A_66 = vector.shape_cast %get3A_65 : vector<1x16xf32> to vector<16xf32>
      %get3A_67 = arith.index_cast %mul3A_61 : i32 to index
      %get3A_68 = arith.constant 0 : index
      %get3A_69 = tpu.vector_load %arg8[%get3A_67, %get3A_68] {strides = array<i32>} : memref<32x16xf32, #tpu.memory_space<vmem>>, vector<1x16xf32>,
      %get3A_70 = vector.shape_cast %get3A_69 : vector<1x16xf32> to vector<16xf32>
      %parallel_loop3A = arith.constant 0 : i32
      %parallel_loop3A_71 = arith.constant 1250 : i32
      %parallel_loop3A_72 = arith.constant 1 : i32
      scf.for %parallel_loop3A_110 = %parallel_loop3A to %parallel_loop3A_71 step %parallel_loop3A_72  : i32 {
        %parallel_loop3A_111 = arith.constant 16 : i32
        %parallel_loop3A_112 = arith.muli %parallel_loop3A_110, %parallel_loop3A_111 : i32
        %parallel_loop3A_113 = arith.constant 0 : i32
        %parallel_loop3A_114 = arith.index_cast %parallel_loop3A_113 : i32 to index
        %parallel_loop3A_115 = arith.index_cast %parallel_loop3A_112 : i32 to index
        %parallel_loop3A_116 = tpu.vector_load %arg6[%parallel_loop3A_114, %parallel_loop3A_115] {strides = array<i32>} : memref<2x20000xf32, #tpu.memory_space<vmem>>, vector<1x16xf32>,
        %parallel_loop3A_117 = vector.shape_cast %parallel_loop3A_116 : vector<1x16xf32> to vector<16xf32>
        %parallel_loop3A_118 = arith.mulf %parallel_loop3A_117, %get3A_70 : vector<16xf32>
        %parallel_loop3A_119 = arith.addf %get3A_66, %parallel_loop3A_118 : vector<16xf32>
        %parallel_loop3A_120 = math.exp %parallel_loop3A_119 : vector<16xf32>
        %parallel_loop3A_121 = arith.constant 0 : i32
        %parallel_loop3A_122 = arith.index_cast %parallel_loop3A_121 : i32 to index
        %parallel_loop3A_123 = arith.index_cast %parallel_loop3A_112 : i32 to index
        %parallel_loop3A_124 = tpu.vector_load %arg9[%parallel_loop3A_122, %parallel_loop3A_123] {strides = array<i32>} : memref<2x20000xf32, #tpu.memory_space<vmem>>, vector<1x16xf32>,
        %parallel_loop3A_125 = vector.shape_cast %parallel_loop3A_124 : vector<1x16xf32> to vector<16xf32>
        %parallel_loop3A_126 = vector.shape_cast %parallel_loop3A_120 : vector<16xf32> to vector<1x16xf32>
        tpu.vector_store %arg9[%parallel_loop3A_122, %parallel_loop3A_123], %parallel_loop3A_126 {strides = array<i32>} : memref<2x20000xf32, #tpu.memory_space<vmem>>, vector<1x16xf32>,
        %parallel_loop3A_127 = arith.constant 1 : i32
        %parallel_loop3A_128 = arith.index_cast %parallel_loop3A_127 : i32 to index
        %parallel_loop3A_129 = arith.index_cast %parallel_loop3A_112 : i32 to index
        %parallel_loop3A_130 = tpu.vector_load %arg6[%parallel_loop3A_128, %parallel_loop3A_129] {strides = array<i32>} : memref<2x20000xf32, #tpu.memory_space<vmem>>, vector<1x16xf32>,
        %parallel_loop3A_131 = vector.shape_cast %parallel_loop3A_130 : vector<1x16xf32> to vector<16xf32>
        %parallel_loop3A_132 = arith.mulf %parallel_loop3A_131, %get3A_70 : vector<16xf32>
        %parallel_loop3A_133 = arith.addf %get3A_66, %parallel_loop3A_132 : vector<16xf32>
        %parallel_loop3A_134 = math.exp %parallel_loop3A_133 : vector<16xf32>
        %parallel_loop3A_135 = arith.constant 1 : i32
        %parallel_loop3A_136 = arith.index_cast %parallel_loop3A_135 : i32 to index
        %parallel_loop3A_137 = arith.index_cast %parallel_loop3A_112 : i32 to index
        %parallel_loop3A_138 = tpu.vector_load %arg9[%parallel_loop3A_136, %parallel_loop3A_137] {strides = array<i32>} : memref<2x20000xf32, #tpu.memory_space<vmem>>, vector<1x16xf32>,
        %parallel_loop3A_139 = vector.shape_cast %parallel_loop3A_138 : vector<1x16xf32> to vector<16xf32>
        %parallel_loop3A_140 = vector.shape_cast %parallel_loop3A_134 : vector<16xf32> to vector<1x16xf32>
        tpu.vector_store %arg9[%parallel_loop3A_136, %parallel_loop3A_137], %parallel_loop3A_140 {strides = array<i32>} : memref<2x20000xf32, #tpu.memory_space<vmem>>, vector<1x16xf32>,
      } {sc.loop_unroll_factor = 8 : i64, sc.parallel_access}
      %add3A_73 = arith.addi %mul3A_7, %mul3A_61 : i32
      %dma_start3A = arith.constant 0 : i32
      %dma_start3A_74 = arith.constant 0 : i32
      %dma_start3A_75 = tpu.memref_slice %arg5[%add3A_73, %dma_start3A, %dma_start3A_74] : memref<1000x2x20000xf32, #tpu.memory_space<hbm>> -> memref<1x2x20000xf32, #tpu.memory_space<hbm>>
      %dma_start3A_76 = tpu.memref_squeeze %dma_start3A_75 : memref<1x2x20000xf32, #tpu.memory_space<hbm>> -> memref<2x20000xf32, #tpu.memory_space<hbm>>
      %dma_start3A_77 = arith.constant 0 : i32
      %dma_start3A_78 = arith.constant 0 : i32
      %dma_start3A_79 = tpu.memref_slice %arg5[%add3A_73, %dma_start3A_77, %dma_start3A_78] : memref<1000x2x20000xf32, #tpu.memory_space<hbm>> -> memref<1x2x20000xf32, #tpu.memory_space<hbm>>
      %dma_start3A_80 = tpu.memref_squeeze %dma_start3A_79 : memref<1x2x20000xf32, #tpu.memory_space<hbm>> -> memref<2x20000xf32, #tpu.memory_space<hbm>>
      tpu.enqueue_dma source(%arg9 : memref<2x20000xf32, #tpu.memory_space<vmem>>) target(%dma_start3A_80 : memref<2x20000xf32, #tpu.memory_space<hbm>>) target_semaphore(%arg11 : memref<!tpu.dma_semaphore, #tpu.memory_space<semaphore_mem>>)
      %gt3A_81 = arith.constant 0 : i32
      %gt3A_82 = arith.cmpi sgt, %while3A_59, %gt3A_81 : i32
      %convert_element_type3A_83 = arith.extui %gt3A_82 : i1 to i32
      %cond3A_84 = arith.constant 0 : i32
      %cond3A_85 = arith.cmpi ne, %convert_element_type3A_83, %cond3A_84 : i32
      scf.if %cond3A_85 {
        %add3A_110 = arith.addi %mul3A_7, %mul3A_61 : i32
        %sub3A_111 = arith.constant 1 : i32
        %sub3A_112 = arith.subi %add3A_110, %sub3A_111 : i32
        %dma_wait3A_113 = arith.constant 0 : i32
        %dma_wait3A_114 = arith.constant 0 : i32
        %dma_wait3A_115 = tpu.memref_slice %arg5[%sub3A_112, %dma_wait3A_113, %dma_wait3A_114] : memref<1000x2x20000xf32, #tpu.memory_space<hbm>> -> memref<1x2x20000xf32, #tpu.memory_space<hbm>>
        %dma_wait3A_116 = tpu.memref_squeeze %dma_wait3A_115 : memref<1x2x20000xf32, #tpu.memory_space<hbm>> -> memref<2x20000xf32, #tpu.memory_space<hbm>>
        %dma_wait3A_117 = arith.constant 0 : i32
        %dma_wait3A_118 = arith.constant 0 : i32
        %dma_wait3A_119 = tpu.memref_slice %arg5[%sub3A_112, %dma_wait3A_117, %dma_wait3A_118] : memref<1000x2x20000xf32, #tpu.memory_space<hbm>> -> memref<1x2x20000xf32, #tpu.memory_space<hbm>>
        %dma_wait3A_120 = tpu.memref_squeeze %dma_wait3A_119 : memref<1x2x20000xf32, #tpu.memory_space<hbm>> -> memref<2x20000xf32, #tpu.memory_space<hbm>>
        tpu.wait_dma2 semaphore(%arg12 : memref<!tpu.dma_semaphore, #tpu.memory_space<semaphore_mem>>) src(%arg10 : memref<2x20000xf32, #tpu.memory_space<vmem>>) dst(%dma_wait3A_120 : memref<2x20000xf32, #tpu.memory_space<hbm>>)
      } else {
      }
      %add3A_86 = arith.constant 1 : i32
      %add3A_87 = arith.addi %mul3A_61, %add3A_86 : i32
      %get3A_88 = arith.index_cast %add3A_87 : i32 to index
      %get3A_89 = arith.constant 0 : index
      %get3A_90 = tpu.vector_load %arg7[%get3A_88, %get3A_89] {strides = array<i32>} : memref<32x16xf32, #tpu.memory_space<vmem>>, vector<1x16xf32>,
      %get3A_91 = vector.shape_cast %get3A_90 : vector<1x16xf32> to vector<16xf32>
      %get3A_92 = arith.index_cast %add3A_87 : i32 to index
      %get3A_93 = arith.constant 0 : index
      %get3A_94 = tpu.vector_load %arg8[%get3A_92, %get3A_93] {strides = array<i32>} : memref<32x16xf32, #tpu.memory_space<vmem>>, vector<1x16xf32>,
      %get3A_95 = vector.shape_cast %get3A_94 : vector<1x16xf32> to vector<16xf32>
      %parallel_loop3A_96 = arith.constant 0 : i32
      %parallel_loop3A_97 = arith.constant 1250 : i32
      %parallel_loop3A_98 = arith.constant 1 : i32
      scf.for %parallel_loop3A_110 = %parallel_loop3A_96 to %parallel_loop3A_97 step %parallel_loop3A_98  : i32 {
        %parallel_loop3A_111 = arith.constant 16 : i32
        %parallel_loop3A_112 = arith.muli %parallel_loop3A_110, %parallel_loop3A_111 : i32
        %parallel_loop3A_113 = arith.constant 0 : i32
        %parallel_loop3A_114 = arith.index_cast %parallel_loop3A_113 : i32 to index
        %parallel_loop3A_115 = arith.index_cast %parallel_loop3A_112 : i32 to index
        %parallel_loop3A_116 = tpu.vector_load %arg6[%parallel_loop3A_114, %parallel_loop3A_115] {strides = array<i32>} : memref<2x20000xf32, #tpu.memory_space<vmem>>, vector<1x16xf32>,
        %parallel_loop3A_117 = vector.shape_cast %parallel_loop3A_116 : vector<1x16xf32> to vector<16xf32>
        %parallel_loop3A_118 = arith.mulf %parallel_loop3A_117, %get3A_95 : vector<16xf32>
        %parallel_loop3A_119 = arith.addf %get3A_91, %parallel_loop3A_118 : vector<16xf32>
        %parallel_loop3A_120 = math.exp %parallel_loop3A_119 : vector<16xf32>
        %parallel_loop3A_121 = arith.constant 0 : i32
        %parallel_loop3A_122 = arith.index_cast %parallel_loop3A_121 : i32 to index
        %parallel_loop3A_123 = arith.index_cast %parallel_loop3A_112 : i32 to index
        %parallel_loop3A_124 = tpu.vector_load %arg10[%parallel_loop3A_122, %parallel_loop3A_123] {strides = array<i32>} : memref<2x20000xf32, #tpu.memory_space<vmem>>, vector<1x16xf32>,
        %parallel_loop3A_125 = vector.shape_cast %parallel_loop3A_124 : vector<1x16xf32> to vector<16xf32>
        %parallel_loop3A_126 = vector.shape_cast %parallel_loop3A_120 : vector<16xf32> to vector<1x16xf32>
        tpu.vector_store %arg10[%parallel_loop3A_122, %parallel_loop3A_123], %parallel_loop3A_126 {strides = array<i32>} : memref<2x20000xf32, #tpu.memory_space<vmem>>, vector<1x16xf32>,
        %parallel_loop3A_127 = arith.constant 1 : i32
        %parallel_loop3A_128 = arith.index_cast %parallel_loop3A_127 : i32 to index
        %parallel_loop3A_129 = arith.index_cast %parallel_loop3A_112 : i32 to index
        %parallel_loop3A_130 = tpu.vector_load %arg6[%parallel_loop3A_128, %parallel_loop3A_129] {strides = array<i32>} : memref<2x20000xf32, #tpu.memory_space<vmem>>, vector<1x16xf32>,
        %parallel_loop3A_131 = vector.shape_cast %parallel_loop3A_130 : vector<1x16xf32> to vector<16xf32>
        %parallel_loop3A_132 = arith.mulf %parallel_loop3A_131, %get3A_95 : vector<16xf32>
        %parallel_loop3A_133 = arith.addf %get3A_91, %parallel_loop3A_132 : vector<16xf32>
        %parallel_loop3A_134 = math.exp %parallel_loop3A_133 : vector<16xf32>
        %parallel_loop3A_135 = arith.constant 1 : i32
        %parallel_loop3A_136 = arith.index_cast %parallel_loop3A_135 : i32 to index
        %parallel_loop3A_137 = arith.index_cast %parallel_loop3A_112 : i32 to index
        %parallel_loop3A_138 = tpu.vector_load %arg10[%parallel_loop3A_136, %parallel_loop3A_137] {strides = array<i32>} : memref<2x20000xf32, #tpu.memory_space<vmem>>, vector<1x16xf32>,
        %parallel_loop3A_139 = vector.shape_cast %parallel_loop3A_138 : vector<1x16xf32> to vector<16xf32>
        %parallel_loop3A_140 = vector.shape_cast %parallel_loop3A_134 : vector<16xf32> to vector<1x16xf32>
        tpu.vector_store %arg10[%parallel_loop3A_136, %parallel_loop3A_137], %parallel_loop3A_140 {strides = array<i32>} : memref<2x20000xf32, #tpu.memory_space<vmem>>, vector<1x16xf32>,
      } {sc.loop_unroll_factor = 8 : i64, sc.parallel_access}
      %add3A_99 = arith.addi %mul3A_7, %mul3A_61 : i32
      %add3A_100 = arith.constant 1 : i32
      %add3A_101 = arith.addi %add3A_99, %add3A_100 : i32
      %dma_start3A_102 = arith.constant 0 : i32
      %dma_start3A_103 = arith.constant 0 : i32
      %dma_start3A_104 = tpu.memref_slice %arg5[%add3A_101, %dma_start3A_102, %dma_start3A_103] : memref<1000x2x20000xf32, #tpu.memory_space<hbm>> -> memref<1x2x20000xf32, #tpu.memory_space<hbm>>
      %dma_start3A_105 = tpu.memref_squeeze %dma_start3A_104 : memref<1x2x20000xf32, #tpu.memory_space<hbm>> -> memref<2x20000xf32, #tpu.memory_space<hbm>>
      %dma_start3A_106 = arith.constant 0 : i32
      %dma_start3A_107 = arith.constant 0 : i32
      %dma_start3A_108 = tpu.memref_slice %arg5[%add3A_101, %dma_start3A_106, %dma_start3A_107] : memref<1000x2x20000xf32, #tpu.memory_space<hbm>> -> memref<1x2x20000xf32, #tpu.memory_space<hbm>>
      %dma_start3A_109 = tpu.memref_squeeze %dma_start3A_108 : memref<1x2x20000xf32, #tpu.memory_space<hbm>> -> memref<2x20000xf32, #tpu.memory_space<hbm>>
      tpu.enqueue_dma source(%arg10 : memref<2x20000xf32, #tpu.memory_space<vmem>>) target(%dma_start3A_109 : memref<2x20000xf32, #tpu.memory_space<hbm>>) target_semaphore(%arg12 : memref<!tpu.dma_semaphore, #tpu.memory_space<semaphore_mem>>)
    }
    %add3A_38 = arith.addi %mul3A_7, %select_n3A : i32
    %sub3A_39 = arith.constant 2 : i32
    %sub3A_40 = arith.subi %add3A_38, %sub3A_39 : i32
    %dma_wait3A = arith.constant 0 : i32
    %dma_wait3A_41 = arith.constant 0 : i32
    %dma_wait3A_42 = tpu.memref_slice %arg5[%sub3A_40, %dma_wait3A, %dma_wait3A_41] : memref<1000x2x20000xf32, #tpu.memory_space<hbm>> -> memref<1x2x20000xf32, #tpu.memory_space<hbm>>
    %dma_wait3A_43 = tpu.memref_squeeze %dma_wait3A_42 : memref<1x2x20000xf32, #tpu.memory_space<hbm>> -> memref<2x20000xf32, #tpu.memory_space<hbm>>
    %dma_wait3A_44 = arith.constant 0 : i32
    %dma_wait3A_45 = arith.constant 0 : i32
    %dma_wait3A_46 = tpu.memref_slice %arg5[%sub3A_40, %dma_wait3A_44, %dma_wait3A_45] : memref<1000x2x20000xf32, #tpu.memory_space<hbm>> -> memref<1x2x20000xf32, #tpu.memory_space<hbm>>
    %dma_wait3A_47 = tpu.memref_squeeze %dma_wait3A_46 : memref<1x2x20000xf32, #tpu.memory_space<hbm>> -> memref<2x20000xf32, #tpu.memory_space<hbm>>
    tpu.wait_dma2 semaphore(%arg11 : memref<!tpu.dma_semaphore, #tpu.memory_space<semaphore_mem>>) src(%arg9 : memref<2x20000xf32, #tpu.memory_space<vmem>>) dst(%dma_wait3A_47 : memref<2x20000xf32, #tpu.memory_space<hbm>>)
    %add3A_48 = arith.addi %mul3A_7, %select_n3A : i32
    %sub3A_49 = arith.constant 1 : i32
    %sub3A_50 = arith.subi %add3A_48, %sub3A_49 : i32
    %dma_wait3A_51 = arith.constant 0 : i32
    %dma_wait3A_52 = arith.constant 0 : i32
    %dma_wait3A_53 = tpu.memref_slice %arg5[%sub3A_50, %dma_wait3A_51, %dma_wait3A_52] : memref<1000x2x20000xf32, #tpu.memory_space<hbm>> -> memref<1x2x20000xf32, #tpu.memory_space<hbm>>
    %dma_wait3A_54 = tpu.memref_squeeze %dma_wait3A_53 : memref<1x2x20000xf32, #tpu.memory_space<hbm>> -> memref<2x20000xf32, #tpu.memory_space<hbm>>
    %dma_wait3A_55 = arith.constant 0 : i32
    %dma_wait3A_56 = arith.constant 0 : i32
    %dma_wait3A_57 = tpu.memref_slice %arg5[%sub3A_50, %dma_wait3A_55, %dma_wait3A_56] : memref<1000x2x20000xf32, #tpu.memory_space<hbm>> -> memref<1x2x20000xf32, #tpu.memory_space<hbm>>
    %dma_wait3A_58 = tpu.memref_squeeze %dma_wait3A_57 : memref<1x2x20000xf32, #tpu.memory_space<hbm>> -> memref<2x20000xf32, #tpu.memory_space<hbm>>
    tpu.wait_dma2 semaphore(%arg12 : memref<!tpu.dma_semaphore, #tpu.memory_space<semaphore_mem>>) src(%arg10 : memref<2x20000xf32, #tpu.memory_space<vmem>>) dst(%dma_wait3A_58 : memref<2x20000xf32, #tpu.memory_space<hbm>>)
    return
  }
}

module attributes {stable_mosaic.version = 14 : i64} {
  func.func @_tc_body(%arg0: memref<1xf32, #tpu.memory_space<smem>>, %arg1: memref<1024x128xf32, #tpu.memory_space<vmem>>, %arg2: memref<128x1xf32, #tpu.memory_space<vmem>>, %arg3: memref<1024x16xf32, #tpu.memory_space<vmem>>, %arg4: memref<1024x16xf32, #tpu.memory_space<vmem>>) attributes {dimension_semantics = [], scalar_prefetch = 0 : i64, scratch_operands = 0 : i64, tpu.core_type = #tpu.core_type<tc>} {
    %get3A = arith.constant 0 : index
    %get3A_0 = arith.constant 0 : index
    %get3A_1 = vector.load %arg1[%get3A, %get3A_0] : memref<1024x128xf32, #tpu.memory_space<vmem>>, vector<1024x128xf32>
    %get3A_2 = arith.constant 0 : index
    %get3A_3 = arith.constant 0 : index
    %get3A_4 = vector.load %arg2[%get3A_2, %get3A_3] : memref<128x1xf32, #tpu.memory_space<vmem>>, vector<128x1xf32>
    %dot_general3A = arith.constant dense<0.000000e+00> : vector<1024x1xf32>
    %dot_general3A_5 = tpu.matmul %get3A_1, %get3A_4, %dot_general3A {dimension_numbers = #tpu.dot_dimension_numbers<[1], [0], [0], [1], [0, 0, 1, 1], [], []>, transpose_lhs_hint = false} : vector<1024x128xf32>, vector<128x1xf32>, vector<1024x1xf32> -> vector<1024x1xf32>
    %get3A_6 = arith.constant 0 : index
    %get3A_7 = memref.load %arg0[%get3A_6] : memref<1xf32, #tpu.memory_space<smem>>
    %add3A = vector.broadcast %get3A_7 : f32 to vector<1024x1xf32>
    %add3A_8 = arith.addf %dot_general3A_5, %add3A : vector<1024x1xf32>
    %logistic3A = arith.negf %add3A_8 : vector<1024x1xf32>
    %logistic3A_9 = math.exp %logistic3A : vector<1024x1xf32>
    %logistic3A_10 = arith.constant 1.000000e+00 : f32
    %logistic3A_11 = vector.broadcast %logistic3A_10 : f32 to vector<1024x1xf32>
    %logistic3A_12 = arith.addf %logistic3A_11, %logistic3A_9 : vector<1024x1xf32>
    %logistic3A_13 = arith.divf %logistic3A_11, %logistic3A_12 : vector<1024x1xf32>
    %log3A = math.log %logistic3A_13 : vector<1024x1xf32>
    %max3A = arith.constant -1.000000e+10 : f32
    %max3A_14 = vector.broadcast %max3A : f32 to vector<1024x1xf32>
    %max3A_15 = arith.maximumf %log3A, %max3A_14 : vector<1024x1xf32>
    %sub3A = arith.constant 1.000000e+00 : f32
    %sub3A_16 = vector.broadcast %sub3A : f32 to vector<1024x1xf32>
    %sub3A_17 = arith.subf %sub3A_16, %logistic3A_13 : vector<1024x1xf32>
    %log3A_18 = math.log %sub3A_17 : vector<1024x1xf32>
    %max3A_19 = arith.constant -1.000000e+10 : f32
    %max3A_20 = vector.broadcast %max3A_19 : f32 to vector<1024x1xf32>
    %max3A_21 = arith.maximumf %log3A_18, %max3A_20 : vector<1024x1xf32>
    %broadcast_in_dim3A = vector.shape_cast %max3A_21 : vector<1024x1xf32> to vector<1024x1xf32>
    %broadcast_in_dim3A_22 = vector.broadcast %broadcast_in_dim3A : vector<1024x1xf32> to vector<1024x16xf32>
    %swap3A = arith.constant 0 : index
    %swap3A_23 = arith.constant 0 : index
    %swap3A_24 = vector.load %arg3[%swap3A, %swap3A_23] : memref<1024x16xf32, #tpu.memory_space<vmem>>, vector<1024x16xf32>
    tpu.vector_store %arg3[%swap3A, %swap3A_23], %broadcast_in_dim3A_22 {strides = array<i32>} : memref<1024x16xf32, #tpu.memory_space<vmem>>, vector<1024x16xf32>,
    %sub3A_25 = arith.subf %max3A_15, %max3A_21 : vector<1024x1xf32>
    %broadcast_in_dim3A_26 = vector.shape_cast %sub3A_25 : vector<1024x1xf32> to vector<1024x1xf32>
    %broadcast_in_dim3A_27 = vector.broadcast %broadcast_in_dim3A_26 : vector<1024x1xf32> to vector<1024x16xf32>
    %swap3A_28 = arith.constant 0 : index
    %swap3A_29 = arith.constant 0 : index
    %swap3A_30 = vector.load %arg4[%swap3A_28, %swap3A_29] : memref<1024x16xf32, #tpu.memory_space<vmem>>, vector<1024x16xf32>
    tpu.vector_store %arg4[%swap3A_28, %swap3A_29], %broadcast_in_dim3A_27 {strides = array<i32>} : memref<1024x16xf32, #tpu.memory_space<vmem>>, vector<1024x16xf32>,
    return
  }
}

</mosaic_0001>

<sc_bundles>
// kernel: kernel.4.cloned.1.call-start
scs
__scs_entry_jumppad:
0x0: {  	(pc) =	sbr.rel $0x88, $3  }
0x1: {  	(tag) =	ssettag $0x0;
	lr =	simm.s32 $0x1  }
0x2: {  	[smem:$0x3F9E] =	sst lr;
	_ =	strace $0xD0000000  }
0x3: {  	_ = 	snop  }
0x4: {  	_ = 	snop  }
0x5: {  	_ = 	snop  }
0x6: {  	_ = 	snop  }
0x7: {  	_ = 	snop  }
__scs_overlays_trampoline_lowered:
0x8: {  	[smem:$0x3FAD] =	sst s0  }
0x9: {  	[smem:$0x3FAE] =	sst s1  }
0xa: {  	[smem:$0x3FAF] =	sst s2  }
0xb: {  	[smem:$0x3FB0] =	sst s3  }
0xc: {  	[smem:$0x3FB1] =	sst s4  }
0xd: {  	[smem:$0x3FB2] =	sst s5  }
0xe: {  	[smem:$0x3FB3] =	sst s6  }
0xf: {  	[smem:$0x3FB4] =	sst s7  }
0x10: {  	[smem:$0x3FB5] =	sst s8  }
0x11: {  	[smem:$0x3FB6] =	sst s9;
	s0 =	simm.s32 @!p0 $0x0  }
0x12: {  	s1 =	sld [smem:$0x3F9C];
	s0 =	simm.s32 @p0 $0x1  }
0x13: {  	[smem:$0x3FB7] =	sst s0;
	s0 =	simm.s32 @!p1 $0x0  }
0x14: {  	s2 =	sld [smem:$0x3F9B];
	s0 =	simm.s32 @p1 $0x1  }
0x15: {  	[smem:$0x3FB8] =	sst s0;
	s0 =	simm.s32 @!p2 $0x0  }
0x16: {  	s3 =	sld [smem:$0x3FDB];
	s0 =	simm.s32 @p2 $0x1  }
0x17: {  	s4 =	simm.s32 $0x1BF5;
	[smem:$0x3FBA] =	sst s0  }
0x18: {  	s0 =	sld [smem:$0x3F9D];
	_ =	swait.ge [sflag:s4], $0x0  }
0x19: {  	s7 =	sld [smem:$0x3F9E]  }
0x1a: {  	s8 =	sadd.s32 $0xFFFFE003, lr  }
0x1b: {  	s9 =	sadd.s32 $0xFFFFFEF7, lr;
	s5 =	simm.s32 $0xFFFFFFFF;
	p2 =	slt.u32 s8, $0xFFFFF086  }
0x1c: {  	p1 =	slt.u32 s9, $0xF7A;
	s5 =	simm.s32 @!p2 $0x0  }
0x1d: {  	s5 =	simm.s32 @p1 $0x1;
	p0 =	seq.s32 s7, s2  }
0x1e: {  	s7 =	smul.u32 @!p0 $0xF7A, s2;
	p2 =	seq.s32 @!p0 s5, $0x0  }
0x1f: {  	s9 =	smul.u32 $0xF7A, s1;
	s8 =	simm.s32 @!p0 $0x1BF5;
	p2 =	por !p2, p0  }
0x20: {  	[sflag:s8] =	ssyncset.s32 @!p0 $0xFFFFF086;
	s6 =	sadd.s32 @!p0 s3, s7;
	s7 =	simm.s32 @!p0 $0x108  }
0x21: {  	s3 =	sadd.s32 s3, s9;
	s6 =	sadd.s32 @!p0 $0x88, s6;
	s7 =	simm.s32 @p2 $0x1082  }
0x22: {  	[simem:s7], [sflag:s8] =	dma.local @!p0 [hbm:s6], $0xF7A  }
0x23: {  	s9 =	sor.u32 $0xD0000000, s2;
	s6 =	simm.s32 $0x108;
	_ =	swait.ge @!p0 [sflag:s8], $0x0  }
0x24: {  	s3 =	sadd.s32 $0x88, s3;
	s6 =	simm.s32 @!p1 $0x1082;
	[sflag:s4] =	ssyncset.s32 $0xFFFFF086  }
0x25: {  	[simem:s6], [sflag:s4] =	dma.local [hbm:s3], $0xF7A  }
0x26: {  	[smem:$0x3F9E] =	sst s1;
	(tag) =	ssettag s2;
	_ =	strace s9  }
0x27: {  	s1 =	sld [smem:$0x3FAE]  }
0x28: {  	s2 =	sld [smem:$0x3FAF]  }
0x29: {  	s4 =	sld [smem:$0x3FB1]  }
0x2a: {  	p0 =	seq.s32 s5, $0x0;
	s5 =	sld [smem:$0x3FB2]  }
0x2b: {  	s6 =	sld [smem:$0x3FB3]  }
0x2c: {  	s7 =	sld [smem:$0x3FB4]  }
0x2d: {  	s3 =	simm.s32 $0x108;
	s8 =	sld [smem:$0x3FB5]  }
0x2e: {  	s3 =	simm.s32 @!p0 $0x1082;
	s9 =	sld [smem:$0x3FB6]  }
0x2f: {  	lr =	sadd.s32 s0, s3;
	s0 =	sld [smem:$0x3FAD]  }
0x30: {  	s3 =	sld [smem:$0x3FB0]  }
0x31: {  	[smem:$0x3FB9] =	sst s10  }
0x32: {  	s10 =	sld [smem:$0x3FB7];
	_ =	sdelay $0x3  }
0x33: {  	p0 =	seq.s32 s10, $0x1;
	s10 =	sld [smem:$0x3FB9];
	_ =	sdelay $0x3  }
0x34: {  	[smem:$0x3FB9] =	sst s10  }
0x35: {  	s10 =	sld [smem:$0x3FB8];
	_ =	sdelay $0x3  }
0x36: {  	p1 =	seq.s32 s10, $0x1;
	s10 =	sld [smem:$0x3FB9];
	_ =	sdelay $0x3  }
0x37: {  	[smem:$0x3FB9] =	sst s10  }
0x38: {  	s10 =	sld [smem:$0x3FBA]  }
0x39: {  	_ = 	snop;
	(pc) =	sbr.ind lr, $3  }
0x3a: {  	_ = 	snop  }
0x3b: {  	_ = 	snop  }
0x3c: {  	p2 =	seq.s32 s10, $0x1;
	s10 =	sld [smem:$0x3FB9]  }
0x3d: {  	_ =	shalt  }
0x3e: {  	_ =	shalt  }
0x3f: {  	_ =	shalt  }
0x40: {  	_ =	shalt  }
0x41: {  	_ =	shalt  }
0x42: {  	_ =	shalt  }
0x43: {  	_ =	shalt  }
0x44: {  	_ =	shalt  }
0x45: {  	_ =	shalt  }
0x46: {  	_ =	shalt  }
0x47: {  	_ =	shalt  }
0x48: {  	_ =	shalt  }
0x49: {  	_ =	shalt  }
0x4a: {  	_ =	shalt  }
0x4b: {  	_ =	shalt  }
0x4c: {  	_ =	shalt  }
0x4d: {  	_ =	shalt  }
0x4e: {  	_ =	shalt  }
0x4f: {  	_ =	shalt  }
0x50: {  	_ =	shalt  }
0x51: {  	_ =	shalt  }
0x52: {  	_ =	shalt  }
0x53: {  	_ =	shalt  }
0x54: {  	_ =	shalt  }
0x55: {  	_ =	shalt  }
0x56: {  	_ =	shalt  }
0x57: {  	_ =	shalt  }
0x58: {  	_ =	shalt  }
0x59: {  	_ =	shalt  }
0x5a: {  	_ =	shalt  }
0x5b: {  	_ =	shalt  }
0x5c: {  	_ =	shalt  }
0x5d: {  	_ =	shalt  }
0x5e: {  	_ =	shalt  }
0x5f: {  	_ =	shalt  }
0x60: {  	_ =	shalt  }
0x61: {  	_ =	shalt  }
0x62: {  	_ =	shalt  }
0x63: {  	_ =	shalt  }
0x64: {  	_ =	shalt  }
0x65: {  	_ =	shalt  }
0x66: {  	_ =	shalt  }
0x67: {  	_ =	shalt  }
0x68: {  	_ =	shalt  }
0x69: {  	_ =	shalt  }
0x6a: {  	_ =	shalt  }
0x6b: {  	_ =	shalt  }
0x6c: {  	_ =	shalt  }
0x6d: {  	_ =	shalt  }
0x6e: {  	_ =	shalt  }
0x6f: {  	_ =	shalt  }
0x70: {  	_ =	shalt  }
0x71: {  	_ =	shalt  }
0x72: {  	_ =	shalt  }
0x73: {  	_ =	shalt  }
0x74: {  	_ =	shalt  }
0x75: {  	_ =	shalt  }
0x76: {  	_ =	shalt  }
0x77: {  	_ =	shalt  }
0x78: {  	_ =	shalt  }
0x79: {  	_ =	shalt  }
0x7a: {  	_ =	shalt  }
0x7b: {  	_ =	shalt  }
0x7c: {  	_ =	shalt  }
0x7d: {  	_ =	shalt  }
0x7e: {  	_ =	shalt  }
0x7f: {  	_ =	shalt  }
0x80: {  	_ =	shalt  }
0x81: {  	_ =	shalt  }
0x82: {  	_ =	shalt  }
0x83: {  	_ =	shalt  }
0x84: {  	_ =	shalt  }
0x85: {  	_ =	shalt  }
0x86: {  	_ =	shalt  }
0x87: {  	_ =	shalt  }
.Lfunc_end0:
.L_simem_size_0:
called_computation_lowered:
.L_overlay_start_0:
0x88: {  	s2 =	sld [smem:$0x3FD9]  }
0x89: {  	s3 =	sld [smem:$0x3FFE];
	_ =	sdelay $0x1  }
0x8a: {  	s1 =	srdreg.scid  }
0x8b: {  	s0 =	sand.u32 $0x1, s1  }
0x8c: {  	s17 =	sshll.u32 s0, $0xA;
	s2 =	sadd.s32 s3, s2  }
0x8d: {  	s2 =	sadd.s32 s2, s17  }
0x8e: {  	[smem:$0x3FC5] =	sst s2  }
0x8f: {  	_ = 	snop  }
0x90: {  	s2 =	sld [smem:$0x3FD0];
	(tm) =	ssettm $0x1  }
0x91: {  	s18 =	sld [smem:$0x3FFB];
	_ =	sdelay $0x3  }
0x92: {  	_ =	strace s18  }
0x93: {  	s3 =	sld [smem:$0x3FFC];
	_ =	sdelay $0x3  }
0x94: {  	_ =	strace s3  }
0x95: {  	s3 =	sld [smem:$0x3FFD];
	_ =	sdelay $0x3  }
0x96: {  	_ =	strace s3  }
0x97: {  	_ =	strace $0x8FFFFFFF  }
0x98: {  	s19 =	sld [smem:$0x3FDB];
	_ =	sdelay $0x1  }
0x99: {  	s4 =	simm.s32 $_scs_section_size  }
0x9a: {  	s5 =	simm.s32 $_size__tile_overlayer_lowered;
	s6 =	simm.s32 $_tile_overlayer_lowered  }
0x9b: {  	s22 =	simm.s32 $0x1BFF;
	s21 =	sshll.u32 s6, $0x1;
	s3 =	sadd.s32 s4, s19  }
0x9c: {  	s7 =	simm.s32 $0x0;
	s20 =	sshll.u32 s5, $0x1;
	s5 =	sadd.s32 s21, s3  }
0x9d: {  	[timem:s7], [sflag:s22] =	dma.local [hbm:s5], s20  }
0x9e: {  	_ =	swait.ge [sflag:s22], s20  }
0x9f: {  	s4 =	ssub.s32 $0x0, s20;
	[sflag:s22] =	ssyncset.done $0x0  }
0xa0: {  	[sflag:s22] =	ssyncadd.s32 s4;
	_ =	sdelay $0x1  }
0xa1: {  	s23 =	simm.s32 $0x1B8B  }
0xa2: {  	_ =	swait.ge [sflag:s23], $0x1  }
0xa3: {  	[sflag:s23] =	ssyncset.done $0x0  }
0xa4: {  	s25 =	simm.s32 $0x1B8E;
	s24 =	sld [smem:$0x3FFE];
	[sflag:s23] =	ssyncadd.s32 $0xFFFFFFFF  }
0xa5: {  	s26 =	simm.s32 $execute0_lowered;
	[smem:$0x3FD2] =	sst s25  }
0xa6: {  	s5 =	sshll.u32 s26, $0x1;
	_ =	strace $0x80000046;
	[dreg:$0x1] =	wrdreg $0xFFFFFFFF  }
0xa7: {  	s28 =	simm.s32 $_size_execute0_lowered;
	s3 =	sadd.s32 s3, s5;
	[dreg:$0x0] =	wrdreg $0x0  }
0xa8: {  	s5 =	sshll.u32 s28, $0x1;
	[dreg:$0x2] =	wrdreg s3  }
0xa9: {  	[dreg:$0x3] =	wrdreg s5  }
0xaa: {  	[dreg:$0x4] =	wrdreg $0xC0  }
0xab: {  	_ =	task [dreg:s7], $0x5FFFF  }
0xac: {  	[dreg:$0x1] =	wrdreg $0xFFFFFFFF  }
0xad: {  	[dreg:$0x0] =	wrdreg $0x60  }
0xae: {  	[dreg:$0x2] =	wrdreg s24  }
0xaf: {  	[dreg:$0x3] =	wrdreg s2  }
0xb0: {  	[dreg:$0x4] =	wrdreg $0x9  }
0xb1: {  	_ =	task.clear_ibuf [dreg:s7], $0x5FFFF;
	_ =	strace $0x90000046  }
0xb2: {  	s29 =	simm.s32 $0x9;
	_ =	strace $0x80000048  }
0xb3: {  	_ =	swait.ge [sflag:s29], $0x1  }
0xb4: {  	[sflag:s29] =	ssyncadd.s32 $0xFFFFFFFF  }
0xb5: {  	_ =	strace $0x90000048  }
0xb6: {  	_ =	sfence  }
0xb7: {  	s30 =	sld [smem:$0x0];
	_ =	sdelay $0x2  }
0xb8: {  	s31 =	sshll.u32 s1, $0xD;
	s1 =	sshrl.u32 s1, $0x2  }
0xb9: {  	s3 =	sand.u32 $0x4000, s31;
	s1 =	sadd.s32 s1, s30  }
0xba: {  	s0 =	sor.u32 s3, s0;
	s1 =	sshll.u32 s1, $0x11  }
0xbb: {  	s0 =	sor.u32 s1, s0  }
0xbc: {  	s0 =	sadd.s32 $0x8F2B, s0  }
0xbd: {  	[sflag:s0] =	ssyncadd.remote.s32 $0x1  }
0xbe: {  	_ =	sfence.sel $0xFFFF  }
0xbf: {  	[dreg:$0x0] =	wrdreg $0xFFFFFFFF;
	(pc) =	sbr.abs _section_cstart, $3  }
0xc0: {  	[dreg:$0x1] =	wrdreg $0xFFFFFFFF  }
0xc1: {  	_ =	task.clear_ibuf [dreg:s7], $0x2FFFF;
	_ =	strace $0x9FFFFFFF  }
0xc2: {  	(tm) =	ssettm $0x7FFFFFFF  }
0xc3: {  	_ =	shalt  }
tec
execute0_lowered:
.L_overlay_start_1:
0x0: {  	(tag) =	ssettag $0x1  }
0x1: {  	s1 =	srdreg.scid  }
0x2: {  	s0 =	stileid.u32;
	s7 =	rddreg [dreg:$0x0]  }
0x3: {  	s2 =	rddreg [dreg:$0x1];
	s3 =	simm.s32 $0x0;
	s10 =	simm.s32 $0x3  }
0x4: {  	s11 =	simm.s32 $0x9D00;
	s12 =	simm.s32 $0xAD00;
	s13 =	simm.s32 $0xBD00  }
0x5: {  	s14 =	simm.s32 $0x15A00;
	s5 =	sand.u32 $0x1, s1;
	s29 =	sshll.u32 s0, $0x1  }
0x6: {  	s15 =	simm.s32 $0x1;
	s16 =	simm.s32 $0x2;
	s6 =	sor.u32 s5, s29  }
0x7: {  	s17 =	simm.s32 $0x0;
	[smem:$0x7FF] =	sst s3;
	s1 =	smax.u32 s6, $0x1D  }
0x8: {  	s9 =	ssub.s32 $0x2, s5;
	s4 =	sshll.u32 s6, $0x5;
	s8 =	sshll.u32 s1, $0x3  }
0x9: {  	s5 =	sadd.s32 $0xC00, s7;
	s31 =	sshrl.u32 s9, $0x1;
	s4 =	ssub.s32 s4, s8  }
0xa: {  	p0 =	slt.u32 s6, $0x1D;
	s6 =	simm.s32 $0x10;
	s4 =	sadd.s32 $0xE8, s4  }
0xb: {  	s1 =	rddreg [dreg:$0x2];
	_ =	strace $0x80000047;
	s30 =	sshll.u32 s4, $0x4  }
0xc: {  	s9 =	ssub.s32 s9, s31;
	s6 =	simm.s32 @!p0 $0xC;
	s8 =	sadd.s32 s30, s7  }
0xd: {  	s9 =	smax.u32 s9, $0x1;
	s7 =	sadd.s32 $0x2000, s8;
	s8 =	sadd.s32 $0x6000, s8  }
.LBB2_1:
0xe: {  	[tilespmem:s3], [sflag:$0x3] =	stream.linear.gather [hbm4b:s5+s3], $0x9D00, $0x38;
	[tilespmem:$0x1F700] =	vst v63  }
0xf: {  	_ =	swait.ge [sflag:s10], $0x9D00  }
0x10: {  	[sflag:s10] =	ssyncset.done $0x0  }
0x11: {  	[sflag:s10] =	ssyncadd.s32 $0xFFFF6300  }
0x12: {  	[tilespmem:s11], [sflag:$0x3] =	stream.linear.gather [hbm4b:s7+s3], $0x1000, $0x38;
	[tilespmem:$0x1F700] =	vst v63  }
0x13: {  	_ =	swait.ge [sflag:s10], $0x1000  }
0x14: {  	[sflag:s10] =	ssyncset.done $0x0  }
0x15: {  	[sflag:s10] =	ssyncadd.s32 $0xFFFFF000  }
0x16: {  	[tilespmem:s12], [sflag:$0x3] =	stream.linear.gather [hbm4b:s8+s3], $0x1000, $0x38;
	[tilespmem:$0x1F700] =	vst v63  }
0x17: {  	_ =	swait.ge [sflag:s10], $0x1000  }
0x18: {  	[sflag:s10] =	ssyncset.done $0x0  }
0x19: {  	s18 =	simm.s32 $0x0;
	[sflag:s10] =	ssyncadd.s32 $0xFFFFF000  }
.LBB2_2:
0x1a: {  	p0 =	seq.s32 s18, $0x0  }
0x1b: {  	s19 =	simm.s32 @!p0 $0x1  }
0x1c: {  	_ =	swait.ge @!p0 [sflag:s19], $0x9D00  }
0x1d: {  	[sflag:s19] =	ssyncset.done @!p0 $0x0  }
0x1e: {  	[sflag:s19] =	ssyncadd.s32 @!p0 $0xFFFF6300;
	s19 =	sshll.u32 s18, $0x8  }
0x1f: {  	s23 =	simm.s32 $0x80;
	v1 =	vld [tilespmem:s19+$0xAD00]  }
0x20: {  	v2 =	vld [tilespmem:s23+$0xFFFFFF80]  }
0x21: {  	v0 =	vld [tilespmem:s19+$0x9D00]  }
0x22: {  	v3 =	vld [tilespmem:s23+$0xFFFFFFB0]  }
0x23: {  	v4 =	vld [tilespmem:s23+$0xFFFFFFC0]  }
0x24: {  	v5 =	vld [tilespmem:s23+$0xFFFFFFE0]  }
0x25: {  	v6 =	vld [tilespmem:s23+$0xFFFFFF90];
	v2 =	vmul.f32 v2, v1;
	_ =	sdelay $0x1  }
0x26: {  	v7 =	vld [tilespmem:s23+$0xFFFFFFF0];
	v3 =	vmul.f32 v3, v1;
	v2 =	vadd.f32 v2, v0  }
0x27: {  	v4 =	vmul.f32 v4, v1  }
0x28: {  	v8 =	vld [tilespmem:s23+$0xFFFFFFA0];
	v5 =	vmul.f32 v5, v1;
	v3 =	vadd.f32 v3, v0;
	v2 =	vmul.f32 $1.442695020e+00, v2  }
0x29: {  	v6 =	vmul.f32 v6, v1;
	v4 =	vadd.f32 v4, v0  }
0x2a: {  	v5 =	vadd.f32 v5, v0;
	v3 =	vmul.f32 $1.442695020e+00, v3;
	(erf) = vpow2.f32 v2  }
0x2b: {  	v7 =	vmul.f32 v7, v1;
	v4 =	vmul.f32 $1.442695020e+00, v4  }
0x2c: {  	v2 =	vadd.f32 v6, v0;
	(erf) = vpow2.f32 v3;
	v3 =	vmul.f32 $1.442695020e+00, v5  }
0x2d: {  	v5 =	vadd.f32 v7, v0;
	(erf) = vpow2.f32 v4;
	v4 =	vmul.f32 v8, v1  }
0x2e: {  	s22 =	simm.s32 $0x180;
	v6 =	vld [tilespmem:s23+$0xFFFFFFD0];
	v2 =	vmul.f32 $1.442695020e+00, v2;
	(erf) = vpow2.f32 v3  }
0x2f: {  	v11 =	vld [tilespmem:s22+$0xFFFFFFA0];
	v5 =	vmul.f32 $1.442695020e+00, v5  }
0x30: {  	v7 =	vld [tilespmem:s22+$0xFFFFFFB0];
	v3 =	vadd.f32 v4, v0;
	(erf) = vpow2.f32 v2  }
0x31: {  	v2 =	vld [tilespmem:s22+$0xFFFFFFE0];
	(erf) = vpow2.f32 v5  }
0x32: {  	v5 =	vld [tilespmem:s22+$0xFFFFFF90];
	v3 =	vmul.f32 $1.442695020e+00, v3  }
0x33: {  	s20 =	simm.s32 $0xBD80;
	v4 =	vld [tilespmem:s22+$0xFFFFFFF0];
	v6 =	vmul.f32 v6, v1;
	v8 =	vpop (erf)  }
0x34: {  	(erf) = vpow2.f32 v3;
	v3 =	vld [tilespmem:s22+$0xFFFFFF80];
	[tilespmem:s20+$0xFFFFFF80] =	vst v8  }
0x35: {  	v6 =	vadd.f32 v6, v0;
	v8 =	vpop (erf);
	v9 =	vld [tilespmem:s23+$0x0]  }
0x36: {  	v7 =	vmul.f32 v7, v1;
	v2 =	vmul.f32 v2, v1;
	v10 =	vpop (erf);
	[tilespmem:s20+$0xFFFFFFB0] =	vst v8;
	v8 =	vld [tilespmem:s22+$0xFFFFFFC0]  }
0x37: {  	v6 =	vmul.f32 $1.442695020e+00, v6;
	v5 =	vmul.f32 v5, v1;
	[tilespmem:s20+$0xFFFFFFC0] =	vst v10;
	v12 =	vpop (erf);
	v14 =	vld [tilespmem:s23+$0x30]  }
0x38: {  	v11 =	vmul.f32 v11, v1;
	v7 =	vadd.f32 v7, v0;
	v10 =	vld [tilespmem:s23+$0x40];
	[tilespmem:s20+$0xFFFFFFE0] =	vst v12  }
0x39: {  	v5 =	vadd.f32 v5, v0;
	v13 =	vpop (erf);
	(erf) = vpow2.f32 v6;
	v3 =	vmul.f32 v3, v1;
	v6 =	vld [tilespmem:s23+$0x60]  }
0x3a: {  	v4 =	vmul.f32 v4, v1;
	v7 =	vmul.f32 $1.442695020e+00, v7;
	v12 =	vadd.f32 v2, v0;
	v2 =	vpop (erf)  }
0x3b: {  	[tilespmem:s20+$0xFFFFFFF0] =	vst v2;
	v2 =	vmul.f32 $1.442695020e+00, v5;
	v3 =	vadd.f32 v3, v0;
	v9 =	vmul.f32 v9, v1  }
0x3c: {  	v4 =	vadd.f32 v4, v0;
	v63 =	vmul.f32 $1.442695020e+00, v12;
	v15 =	vld [tilespmem:s23+$0x70];
	v5 =	vmul.f32 v8, v1  }
0x3d: {  	v16 =	vpop (erf);
	v10 =	vmul.f32 v10, v1;
	v8 =	vadd.f32 v9, v0;
	v3 =	vmul.f32 $1.442695020e+00, v3  }
0x3e: {  	v9 =	vmul.f32 v14, v1;
	v5 =	vadd.f32 v5, v0;
	[tilespmem:s20+$0xFFFFFFA0] =	vst v16;
	v6 =	vmul.f32 v6, v1  }
0x3f: {  	v12 =	vld [tilespmem:s23+$0x20];
	v8 =	vmul.f32 $1.442695020e+00, v8;
	(erf) = vpow2.f32 v3  }
0x40: {  	v11 =	vadd.f32 v11, v0;
	v5 =	vmul.f32 $1.442695020e+00, v5;
	(erf) = vpow2.f32 v7  }
0x41: {  	v14 =	vmul.f32 v15, v1;
	v3 =	vadd.f32 v6, v0;
	(erf) = vpow2.f32 v8  }
0x42: {  	[tilespmem:s20+$0xFFFFFF90] =	vst v13;
	v6 =	vmul.f32 $1.442695020e+00, v4;
	v4 =	vpop (erf);
	v8 =	vld [tilespmem:s22+$0xFFFFFFD0];
	(erf) = vpow2.f32 v5  }
0x43: {  	[tilespmem:s20+$0xFFFFFFD0] =	vst v4;
	v5 =	vmul.f32 $1.442695020e+00, v3;
	v3 =	vadd.f32 v10, v0;
	v10 =	vmul.f32 $1.442695020e+00, v11;
	v11 =	vld [tilespmem:s23+$0x10]  }
0x44: {  	v4 =	vld [tilespmem:s23+$0x50];
	v7 =	vmul.f32 v12, v1;
	v12 =	vadd.f32 v14, v0;
	v14 =	vadd.f32 v9, v0  }
0x45: {  	s21 =	sshll.u32 s18, $0x1;
	s25 =	simm.s32 $0x8;
	(erf) = vpow2.f32 v63  }
0x46: {  	s24 =	simm.s32 $0xBE80;
	s26 =	simm.s32 $0x280;
	s23 =	simm.s32 $0xBE80;
	v9 =	vmul.f32 $1.442695020e+00, v12;
	v12 =	vadd.f32 v7, v0;
	v7 =	vmul.f32 $1.442695020e+00, v14  }
.LBB2_3:
0x47: {  	v13 =	vld [tilespmem:s26+$0xFFFFFFE0];
	s25 =	sadd.s32 $0x8, s25;
	v8 =	vmul.f32 v8, v1;
	(erf) = vpow2.f32 v2  }
0x48: {  	v2 =	vld [tilespmem:s26+$0xFFFFFFF0];
	p1 =	slt.u32 s25, $0x4D8;
	(erf) = vpow2.f32 v6;
	v6 =	vmul.f32 $1.442695020e+00, v12  }
0x49: {  	v4 =	vmul.f32 v4, v1;
	v12 =	vld [tilespmem:s26+$0xFFFFFF90];
	v8 =	vadd.f32 v8, v0;
	v11 =	vmul.f32 v11, v1  }
0x4a: {  	v3 =	vmul.f32 $1.442695020e+00, v3;
	v14 =	vld [tilespmem:s26+$0xFFFFFFB0];
	v15 =	vpop (erf);
	(erf) = vpow2.f32 v10  }
0x4b: {  	v10 =	vld [tilespmem:s26+$0xFFFFFF80];
	[tilespmem:s24+$0xFFFFFF80] =	vst v15;
	v8 =	vmul.f32 $1.442695020e+00, v8;
	v15 =	vpop (erf);
	v11 =	vadd.f32 v11, v0;
	(erf) = vpow2.f32 v9  }
0x4c: {  	v4 =	vadd.f32 v4, v0;
	v9 =	vld [tilespmem:s22+$0x0];
	[tilespmem:s24+$0xFFFFFFB0] =	vst v15;
	v15 =	vpop (erf);
	(erf) = vpow2.f32 v5  }
0x4d: {  	v5 =	vld [tilespmem:s26+$0xFFFFFFC0];
	v16 =	vpop (erf);
	[tilespmem:s20+$0x0] =	vst v15;
	v11 =	vmul.f32 $1.442695020e+00, v11;
	(erf) = vpow2.f32 v3  }
0x4e: {  	v4 =	vmul.f32 $1.442695020e+00, v4;
	v3 =	vld [tilespmem:s26+$0xFFFFFFA0];
	[tilespmem:s24+$0xFFFFFFC0] =	vst v16;
	(erf) = vpow2.f32 v7  }
0x4f: {  	v7 =	vmul.f32 v13, v1;
	v13 =	vld [tilespmem:s22+$0x40];
	v15 =	vpop (erf);
	(erf) = vpow2.f32 v6  }
0x50: {  	v6 =	vmul.f32 v12, v1;
	v12 =	vld [tilespmem:s22+$0x30];
	[tilespmem:s24+$0xFFFFFFE0] =	vst v15;
	v15 =	vpop (erf);
	(erf) = vpow2.f32 v11  }
0x51: {  	v10 =	vmul.f32 v10, v1;
	v7 =	vadd.f32 v7, v0;
	[tilespmem:s24+$0xFFFFFF90] =	vst v15;
	v11 =	vld [tilespmem:s22+$0x60];
	(erf) = vpow2.f32 v8;
	v8 =	vpop (erf)  }
0x52: {  	v16 =	vmul.f32 v14, v1;
	v6 =	vadd.f32 v6, v0;
	[tilespmem:s24+$0xFFFFFFF0] =	vst v8;
	(erf) = vpow2.f32 v4  }
0x53: {  	v17 =	vmul.f32 v9, v1;
	v4 =	vadd.f32 v10, v0;
	v8 =	vmul.f32 v2, v1;
	v10 =	vld [tilespmem:s22+$0x70];
	v2 =	vpop (erf)  }
0x54: {  	v15 =	vmul.f32 v3, v1;
	v3 =	vadd.f32 v16, v0;
	[tilespmem:s24+$0xFFFFFFA0] =	vst v2;
	v13 =	vmul.f32 v13, v1;
	v14 =	vpop (erf)  }
0x55: {  	v5 =	vmul.f32 v5, v1;
	v18 =	vadd.f32 v17, v0;
	v2 =	vmul.f32 $1.442695020e+00, v6;
	[tilespmem:s20+$0x70] =	vst v14;
	v9 =	vpop (erf)  }
0x56: {  	v7 =	vmul.f32 $1.442695020e+00, v7;
	v12 =	vmul.f32 v12, v1;
	[tilespmem:s20+$0x60] =	vst v9;
	v9 =	vpop (erf)  }
0x57: {  	v5 =	vadd.f32 v5, v0;
	v14 =	vmul.f32 $1.442695020e+00, v3;
	v16 =	vmul.f32 $1.442695020e+00, v18;
	v17 =	vld [tilespmem:s22+$0x20];
	[tilespmem:s20+$0x40] =	vst v9;
	v6 =	vpop (erf)  }
0x58: {  	v18 =	vmul.f32 $1.442695020e+00, v4;
	v3 =	vadd.f32 v13, v0;
	v9 =	vmul.f32 v11, v1;
	[tilespmem:s20+$0x30] =	vst v6;
	v6 =	vpop (erf)  }
0x59: {  	v13 =	vadd.f32 v15, v0;
	v15 =	vadd.f32 v8, v0;
	v10 =	vmul.f32 v10, v1;
	[tilespmem:s20+$0x20] =	vst v6;
	v6 =	vpop (erf)  }
0x5a: {  	v5 =	vmul.f32 $1.442695020e+00, v5;
	v9 =	vadd.f32 v9, v0;
	(erf) = vpow2.f32 v18;
	v4 =	vpop (erf);
	[tilespmem:s20+$0x10] =	vst v6  }
.Ltmp0:
0x5b: {  	s24 =	sadd.s32 $0x100, s24;
	v6 =	vmul.f32 $1.442695020e+00, v15;
	v8 =	vld [tilespmem:s26+$0xFFFFFFD0];
	(erf) = vpow2.f32 v14;
	v14 =	vadd.f32 v12, v0;
	[tilespmem:s23+$0xFFFFFFD0] =	vst v4;
	v11 =	vpop (erf);
	(pc) =	sbr.rel @p1 .LBB2_3-.Ltmp0, $4  }
0x5c: {  	v15 =	vadd.f32 v10, v0;
	v12 =	vmul.f32 v17, v1;
	v4 =	vld [tilespmem:s22+$0x50];
	(erf) = vpow2.f32 v16;
	[tilespmem:s20+$0x50] =	vst v11;
	s20 =	smov.u32 s23;
	s23 =	smov.u32 s24  }
0x5d: {  	(erf) = vpow2.f32 v5;
	v11 =	vld [tilespmem:s22+$0x10];
	v5 =	vmul.f32 $1.442695020e+00, v9;
	s22 =	smov.u32 s26  }
0x5e: {  	v10 =	vmul.f32 $1.442695020e+00, v13;
	v9 =	vmul.f32 $1.442695020e+00, v15;
	v12 =	vadd.f32 v12, v0  }
0x5f: {  	s26 =	sadd.s32 $0x100, s26;
	(erf) = vpow2.f32 v7;
	v7 =	vmul.f32 $1.442695020e+00, v14  }
0x60: {  	(erf) = vpow2.f32 v2;
	v2 =	vmul.f32 v8, v1  }
0x61: {  	v3 =	vmul.f32 $1.442695020e+00, v3;
	(erf) = vpow2.f32 v6  }
0x62: {  	v43 =	vmul.f32 v11, v1;
	(erf) = vpow2.f32 v10  }
0x63: {  	v2 =	vadd.f32 v2, v0;
	(erf) = vpow2.f32 v9  }
0x64: {  	v45 =	vmul.f32 $1.442695020e+00, v12;
	v44 =	vpop (erf);
	v6 =	vadd.f32 v43, v0;
	(erf) = vpow2.f32 v5  }
0x65: {  	v46 =	vpop (erf);
	v2 =	vmul.f32 $1.442695020e+00, v2;
	(erf) = vpow2.f32 v3  }
0x66: {  	v3 =	vpop (erf);
	v6 =	vmul.f32 $1.442695020e+00, v6;
	(erf) = vpow2.f32 v7  }
0x67: {  	v47 =	vpop (erf);
	(erf) = vpow2.f32 v45  }
0x68: {  	v48 =	vpop (erf);
	(erf) = vpow2.f32 v6  }
0x69: {  	v49 =	vpop (erf);
	(erf) = vpow2.f32 v2  }
0x6a: {  	[tilespmem:s24+$0xFFFFFF80] =	vst v44;
	v2 =	vpop (erf)  }
0x6b: {  	v8 =	vld [tilespmem:s22+$0x0];
	[tilespmem:s24+$0xFFFFFFF0] =	vst v2;
	v2 =	vpop (erf)  }
0x6c: {  	v50 =	vld [tilespmem:s22+$0x70];
	v51 =	vpop (erf)  }
0x6d: {  	[tilespmem:s24+$0xFFFFFFC0] =	vst v47;
	v52 =	vpop (erf)  }
0x6e: {  	v55 =	vld [tilespmem:s22+$0x40];
	[tilespmem:s24+$0xFFFFFFE0] =	vst v48;
	v53 =	vpop (erf)  }
0x6f: {  	v4 =	vmul.f32 v4, v1;
	v54 =	vld [tilespmem:s22+$0x60];
	v13 =	vpop (erf)  }
0x70: {  	[tilespmem:s24+$0xFFFFFFB0] =	vst v46;
	v8 =	vmul.f32 v8, v1;
	v14 =	vpop (erf)  }
0x71: {  	v4 =	vadd.f32 v4, v0;
	v15 =	vld [tilespmem:s22+$0x30];
	[tilespmem:s24+$0xFFFFFFA0] =	vst v2;
	v2 =	vmul.f32 v50, v1;
	v56 =	vpop (erf)  }
0x72: {  	[tilespmem:s24+$0xFFFFFF90] =	vst v49;
	v57 =	vadd.f32 v8, v0;
	v58 =	vld [tilespmem:s22+$0x20];
	v16 =	vpop (erf)  }
0x73: {  	v4 =	vmul.f32 $1.442695020e+00, v4;
	v59 =	vld [tilespmem:s22+$0x10];
	v9 =	vmul.f32 v55, v1;
	[tilespmem:s23+$0xFFFFFFD0] =	vst v16;
	v2 =	vadd.f32 v2, v0  }
0x74: {  	v6 =	vmul.f32 $1.442695020e+00, v57;
	v7 =	vmul.f32 v54, v1;
	v16 =	vld [tilespmem:s22+$0x50]  }
0x75: {  	(erf) = vpow2.f32 v4;
	v2 =	vmul.f32 $1.442695020e+00, v2  }
0x76: {  	v60 =	vmul.f32 v15, v1;
	(erf) = vpow2.f32 v6;
	v7 =	vadd.f32 v7, v0  }
0x77: {  	v8 =	vmul.f32 v58, v1;
	(erf) = vpow2.f32 v2;
	v2 =	vadd.f32 v9, v0  }
0x78: {  	v6 =	vadd.f32 v60, v0;
	v4 =	vmul.f32 v59, v1;
	v7 =	vmul.f32 $1.442695020e+00, v7  }
0x79: {  	v8 =	vadd.f32 v8, v0;
	v61 =	vmul.f32 v16, v1;
	v2 =	vmul.f32 $1.442695020e+00, v2  }
0x7a: {  	[tilespmem:s20+$0x0] =	vst v3;
	v3 =	vmul.f32 $1.442695020e+00, v6;
	v4 =	vadd.f32 v4, v0;
	(erf) = vpow2.f32 v7  }
0x7b: {  	[tilespmem:s20+$0x70] =	vst v51;
	v62 =	vmul.f32 $1.442695020e+00, v8;
	v63 =	vadd.f32 v61, v0;
	(erf) = vpow2.f32 v2  }
0x7c: {  	[tilespmem:s20+$0x60] =	vst v52;
	v2 =	vmul.f32 $1.442695020e+00, v4;
	(erf) = vpow2.f32 v3  }
0x7d: {  	[tilespmem:s20+$0x40] =	vst v53;
	v3 =	vmul.f32 $1.442695020e+00, v63;
	(erf) = vpow2.f32 v62  }
0x7e: {  	[tilespmem:s20+$0x30] =	vst v13;
	(erf) = vpow2.f32 v2  }
0x7f: {  	[tilespmem:s20+$0x20] =	vst v14;
	(erf) = vpow2.f32 v3  }
0x80: {  	[tilespmem:s20+$0x10] =	vst v56;
	v2 =	vpop (erf)  }
0x81: {  	[tilespmem:s20+$0x50] =	vst v2;
	v2 =	vpop (erf)  }
0x82: {  	[tilespmem:s23+$0x0] =	vst v2;
	v2 =	vpop (erf)  }
0x83: {  	[tilespmem:s23+$0x70] =	vst v2;
	v2 =	vpop (erf)  }
0x84: {  	[tilespmem:s23+$0x60] =	vst v2;
	v2 =	vpop (erf)  }
0x85: {  	[tilespmem:s23+$0x40] =	vst v2;
	v2 =	vpop (erf)  }
0x86: {  	[tilespmem:s23+$0x30] =	vst v2;
	v2 =	vpop (erf)  }
0x87: {  	[tilespmem:s23+$0x20] =	vst v2;
	v2 =	vpop (erf)  }
0x88: {  	[tilespmem:s23+$0x10] =	vst v2;
	v2 =	vpop (erf)  }
0x89: {  	s20 =	simm.s32 $0x0;
	[tilespmem:s23+$0x50] =	vst v2  }
.LBB2_5:
0x8a: {  	s22 =	sshra.s32 s20, $0x2  }
0x8b: {  	v2 =	vld [tilespmem:s22+$0x9C00]  }
0x8c: {  	v3 =	vld [tilespmem:s22+$0x9C80];
	_ =	sdelay $0x3  }
0x8d: {  	v2 =	vmul.f32 v2, v1  }
0x8e: {  	v3 =	vmul.f32 v3, v1  }
0x8f: {  	v2 =	vadd.f32 v2, v0  }
0x90: {  	v3 =	vadd.f32 v3, v0  }
0x91: {  	v2 =	vmul.f32 $1.442695020e+00, v2  }
0x92: {  	v3 =	vmul.f32 $1.442695020e+00, v3  }
0x93: {  	(erf) = vpow2.f32 v2  }
0x94: {  	(erf) = vpow2.f32 v3;
	_ =	sdelay $0x4  }
0x95: {  	p1 =	sne.s32 s20, $0x40  }
.Ltmp1:
0x96: {  	_ = 	snop;
	(pc) =	sbr.rel @p1 .LBB2_5-.Ltmp1, $4  }
0x97: {  	_ = 	snop  }
0x98: {  	v2 =	vpop (erf)  }
0x99: {  	[tilespmem:s22+$0x15900] =	vst v2;
	v2 =	vpop (erf)  }
0x9a: {  	s20 =	sadd.s32 $0x40, s20;
	[tilespmem:s22+$0x15980] =	vst v2  }
0x9b: {  	s20 =	sadd.s32 s4, s21  }
0x9c: {  	s20 =	smul.u32 $0x9D00, s20;
	_ =	sdelay $0x1  }
0x9d: {  	s31 =	sshrl.u32 s20, $0x3  }
0x9e: {  	s21 =	sadd.s32 s2, s31  }
0x9f: {  	[hbm4b:s21+s3] =	stream.linear.scatter [tilespmem:s13], [sflag:$0x1], $0x9D00, $0x38;
	[tilespmem:$0x1F700] =	vst v63  }
0xa0: {  	s21 =	simm.s32 @!p0 $0x2  }
0xa1: {  	_ =	swait.ge @!p0 [sflag:s21], $0x9D00  }
0xa2: {  	[sflag:s21] =	ssyncset.done @!p0 $0x0  }
0xa3: {  	[sflag:s21] =	ssyncadd.s32 @!p0 $0xFFFF6300  }
0xa4: {  	v0 =	vld [tilespmem:s19+$0x9D80]  }
0xa5: {  	s22 =	simm.s32 $0x80;
	v1 =	vld [tilespmem:s19+$0xAD80]  }
0xa6: {  	v2 =	vld [tilespmem:s22+$0xFFFFFF80]  }
0xa7: {  	v3 =	vld [tilespmem:s22+$0xFFFFFFB0]  }
0xa8: {  	v4 =	vld [tilespmem:s22+$0xFFFFFFC0]  }
0xa9: {  	v5 =	vld [tilespmem:s22+$0xFFFFFFE0]  }
0xaa: {  	v6 =	vld [tilespmem:s22+$0xFFFFFF90]  }
0xab: {  	v7 =	vld [tilespmem:s22+$0xFFFFFFF0];
	v2 =	vmul.f32 v2, v1  }
0xac: {  	v3 =	vmul.f32 v3, v1  }
0xad: {  	v4 =	vmul.f32 v4, v1;
	v2 =	vadd.f32 v2, v0  }
0xae: {  	v5 =	vmul.f32 v5, v1;
	v3 =	vadd.f32 v3, v0  }
0xaf: {  	v8 =	vld [tilespmem:s22+$0xFFFFFFA0];
	v6 =	vmul.f32 v6, v1;
	v4 =	vadd.f32 v4, v0;
	v2 =	vmul.f32 $1.442695020e+00, v2  }
0xb0: {  	v7 =	vmul.f32 v7, v1;
	v3 =	vmul.f32 $1.442695020e+00, v3  }
0xb1: {  	v5 =	vadd.f32 v5, v0;
	v4 =	vmul.f32 $1.442695020e+00, v4;
	(erf) = vpow2.f32 v2  }
0xb2: {  	v2 =	vadd.f32 v6, v0;
	(erf) = vpow2.f32 v3  }
0xb3: {  	v3 =	vmul.f32 $1.442695020e+00, v5;
	v5 =	vadd.f32 v7, v0;
	(erf) = vpow2.f32 v4  }
0xb4: {  	v4 =	vmul.f32 v8, v1;
	v2 =	vmul.f32 $1.442695020e+00, v2  }
0xb5: {  	s21 =	simm.s32 $0x180;
	v6 =	vld [tilespmem:s22+$0xFFFFFFD0];
	v5 =	vmul.f32 $1.442695020e+00, v5;
	(erf) = vpow2.f32 v3  }
0xb6: {  	v11 =	vld [tilespmem:s21+$0xFFFFFFA0];
	(erf) = vpow2.f32 v2  }
0xb7: {  	v3 =	vadd.f32 v4, v0;
	v2 =	vld [tilespmem:s21+$0xFFFFFFE0];
	(erf) = vpow2.f32 v5  }
0xb8: {  	v5 =	vld [tilespmem:s21+$0xFFFFFF90]  }
0xb9: {  	v7 =	vld [tilespmem:s21+$0xFFFFFFB0];
	v3 =	vmul.f32 $1.442695020e+00, v3  }
0xba: {  	v4 =	vld [tilespmem:s21+$0xFFFFFFF0];
	v6 =	vmul.f32 v6, v1  }
0xbb: {  	s19 =	simm.s32 $0x15A80;
	v8 =	vpop (erf);
	(erf) = vpow2.f32 v3;
	v3 =	vld [tilespmem:s21+$0xFFFFFF80]  }
0xbc: {  	v6 =	vadd.f32 v6, v0;
	v2 =	vmul.f32 v2, v1;
	[tilespmem:s19+$0xFFFFFF80] =	vst v8;
	v8 =	vpop (erf)  }
0xbd: {  	v5 =	vmul.f32 v5, v1;
	v9 =	vld [tilespmem:s22+$0x0];
	v10 =	vpop (erf)  }
0xbe: {  	v11 =	vmul.f32 v11, v1;
	v6 =	vmul.f32 $1.442695020e+00, v6;
	[tilespmem:s19+$0xFFFFFFB0] =	vst v8;
	v8 =	vld [tilespmem:s21+$0xFFFFFFC0];
	v12 =	vpop (erf)  }
0xbf: {  	v7 =	vmul.f32 v7, v1;
	v4 =	vmul.f32 v4, v1;
	v14 =	vld [tilespmem:s22+$0x30];
	v5 =	vadd.f32 v5, v0;
	v13 =	vpop (erf);
	[tilespmem:s19+$0xFFFFFFE0] =	vst v12  }
0xc0: {  	v12 =	vadd.f32 v2, v0;
	(erf) = vpow2.f32 v6;
	v3 =	vmul.f32 v3, v1;
	v2 =	vpop (erf);
	v6 =	vld [tilespmem:s22+$0x60]  }
0xc1: {  	v7 =	vadd.f32 v7, v0;
	v4 =	vadd.f32 v4, v0;
	[tilespmem:s19+$0xFFFFFFF0] =	vst v2;
	v2 =	vmul.f32 $1.442695020e+00, v5  }
0xc2: {  	[tilespmem:s19+$0xFFFFFFC0] =	vst v10;
	v63 =	vmul.f32 $1.442695020e+00, v12;
	v3 =	vadd.f32 v3, v0;
	v9 =	vmul.f32 v9, v1  }
0xc3: {  	v10 =	vld [tilespmem:s22+$0x40];
	v12 =	vmul.f32 $1.442695020e+00, v7;
	v5 =	vmul.f32 v8, v1  }
0xc4: {  	v7 =	vmul.f32 $1.442695020e+00, v4;
	v15 =	vld [tilespmem:s22+$0x70];
	v16 =	vpop (erf);
	v8 =	vadd.f32 v9, v0;
	v3 =	vmul.f32 $1.442695020e+00, v3  }
0xc5: {  	v9 =	vmul.f32 v14, v1;
	v5 =	vadd.f32 v5, v0;
	[tilespmem:s19+$0xFFFFFFA0] =	vst v16;
	v6 =	vmul.f32 v6, v1  }
0xc6: {  	v14 =	vld [tilespmem:s22+$0x20];
	v8 =	vmul.f32 $1.442695020e+00, v8;
	(erf) = vpow2.f32 v3  }
0xc7: {  	v11 =	vadd.f32 v11, v0;
	v5 =	vmul.f32 $1.442695020e+00, v5;
	(erf) = vpow2.f32 v12  }
0xc8: {  	v10 =	vmul.f32 v10, v1;
	v3 =	vadd.f32 v6, v0;
	(erf) = vpow2.f32 v8  }
0xc9: {  	[tilespmem:s19+$0xFFFFFF90] =	vst v13;
	v15 =	vmul.f32 v15, v1;
	v4 =	vpop (erf);
	v8 =	vld [tilespmem:s21+$0xFFFFFFD0];
	(erf) = vpow2.f32 v5  }
0xca: {  	[tilespmem:s19+$0xFFFFFFD0] =	vst v4;
	v5 =	vmul.f32 $1.442695020e+00, v3;
	v3 =	vadd.f32 v10, v0;
	v10 =	vmul.f32 $1.442695020e+00, v11;
	v11 =	vld [tilespmem:s22+$0x10]  }
0xcb: {  	v12 =	vadd.f32 v15, v0;
	v4 =	vld [tilespmem:s22+$0x50];
	v6 =	vmul.f32 v14, v1;
	v14 =	vadd.f32 v9, v0  }
0xcc: {  	s24 =	simm.s32 $0x8;
	(erf) = vpow2.f32 v63  }
0xcd: {  	s23 =	simm.s32 $0x15B80;
	s25 =	simm.s32 $0x280;
	s22 =	simm.s32 $0x15B80;
	v9 =	vmul.f32 $1.442695020e+00, v12;
	v12 =	vadd.f32 v6, v0;
	v6 =	vmul.f32 $1.442695020e+00, v14  }
.LBB2_7:
0xce: {  	v13 =	vld [tilespmem:s25+$0xFFFFFFE0];
	s24 =	sadd.s32 $0x8, s24;
	v8 =	vmul.f32 v8, v1;
	(erf) = vpow2.f32 v2  }
0xcf: {  	v2 =	vld [tilespmem:s25+$0xFFFFFFF0];
	p0 =	slt.u32 s24, $0x4D8;
	(erf) = vpow2.f32 v7;
	v7 =	vmul.f32 $1.442695020e+00, v12  }
0xd0: {  	v4 =	vmul.f32 v4, v1;
	v12 =	vld [tilespmem:s25+$0xFFFFFF90];
	v8 =	vadd.f32 v8, v0;
	v11 =	vmul.f32 v11, v1  }
0xd1: {  	v3 =	vmul.f32 $1.442695020e+00, v3;
	v14 =	vld [tilespmem:s25+$0xFFFFFFB0];
	v15 =	vpop (erf);
	(erf) = vpow2.f32 v10  }
0xd2: {  	v10 =	vld [tilespmem:s25+$0xFFFFFF80];
	[tilespmem:s23+$0xFFFFFF80] =	vst v15;
	v8 =	vmul.f32 $1.442695020e+00, v8;
	v15 =	vpop (erf);
	v11 =	vadd.f32 v11, v0;
	(erf) = vpow2.f32 v9  }
0xd3: {  	v4 =	vadd.f32 v4, v0;
	v9 =	vld [tilespmem:s21+$0x0];
	[tilespmem:s23+$0xFFFFFFB0] =	vst v15;
	v15 =	vpop (erf);
	(erf) = vpow2.f32 v5  }
0xd4: {  	v5 =	vld [tilespmem:s25+$0xFFFFFFC0];
	v16 =	vpop (erf);
	[tilespmem:s19+$0x0] =	vst v15;
	v11 =	vmul.f32 $1.442695020e+00, v11;
	(erf) = vpow2.f32 v3  }
0xd5: {  	v4 =	vmul.f32 $1.442695020e+00, v4;
	v3 =	vld [tilespmem:s25+$0xFFFFFFA0];
	[tilespmem:s23+$0xFFFFFFC0] =	vst v16;
	(erf) = vpow2.f32 v6  }
0xd6: {  	v6 =	vmul.f32 v13, v1;
	v13 =	vld [tilespmem:s21+$0x40];
	v15 =	vpop (erf);
	(erf) = vpow2.f32 v7  }
0xd7: {  	v7 =	vmul.f32 v12, v1;
	v12 =	vld [tilespmem:s21+$0x30];
	[tilespmem:s23+$0xFFFFFFE0] =	vst v15;
	v15 =	vpop (erf);
	(erf) = vpow2.f32 v11  }
0xd8: {  	v10 =	vmul.f32 v10, v1;
	v6 =	vadd.f32 v6, v0;
	[tilespmem:s23+$0xFFFFFF90] =	vst v15;
	v11 =	vld [tilespmem:s21+$0x60];
	(erf) = vpow2.f32 v8;
	v8 =	vpop (erf)  }
0xd9: {  	v16 =	vmul.f32 v14, v1;
	v7 =	vadd.f32 v7, v0;
	[tilespmem:s23+$0xFFFFFFF0] =	vst v8;
	(erf) = vpow2.f32 v4  }
0xda: {  	v17 =	vmul.f32 v9, v1;
	v4 =	vadd.f32 v10, v0;
	v8 =	vmul.f32 v2, v1;
	v10 =	vld [tilespmem:s21+$0x70];
	v2 =	vpop (erf)  }
0xdb: {  	v15 =	vmul.f32 v3, v1;
	v3 =	vadd.f32 v16, v0;
	[tilespmem:s23+$0xFFFFFFA0] =	vst v2;
	v13 =	vmul.f32 v13, v1;
	v14 =	vpop (erf)  }
0xdc: {  	v5 =	vmul.f32 v5, v1;
	v18 =	vadd.f32 v17, v0;
	v2 =	vmul.f32 $1.442695020e+00, v7;
	[tilespmem:s19+$0x70] =	vst v14;
	v9 =	vpop (erf)  }
0xdd: {  	v6 =	vmul.f32 $1.442695020e+00, v6;
	v12 =	vmul.f32 v12, v1;
	[tilespmem:s19+$0x60] =	vst v9;
	v9 =	vpop (erf)  }
0xde: {  	v5 =	vadd.f32 v5, v0;
	v14 =	vmul.f32 $1.442695020e+00, v3;
	v16 =	vmul.f32 $1.442695020e+00, v18;
	v17 =	vld [tilespmem:s21+$0x20];
	[tilespmem:s19+$0x40] =	vst v9;
	v7 =	vpop (erf)  }
0xdf: {  	v18 =	vmul.f32 $1.442695020e+00, v4;
	v3 =	vadd.f32 v13, v0;
	v9 =	vmul.f32 v11, v1;
	[tilespmem:s19+$0x30] =	vst v7;
	v7 =	vpop (erf)  }
0xe0: {  	v13 =	vadd.f32 v15, v0;
	v15 =	vadd.f32 v8, v0;
	v10 =	vmul.f32 v10, v1;
	[tilespmem:s19+$0x20] =	vst v7;
	v7 =	vpop (erf)  }
0xe1: {  	v5 =	vmul.f32 $1.442695020e+00, v5;
	v9 =	vadd.f32 v9, v0;
	(erf) = vpow2.f32 v18;
	v4 =	vpop (erf);
	[tilespmem:s19+$0x10] =	vst v7  }
.Ltmp2:
0xe2: {  	s23 =	sadd.s32 $0x100, s23;
	v7 =	vmul.f32 $1.442695020e+00, v15;
	v8 =	vld [tilespmem:s25+$0xFFFFFFD0];
	(erf) = vpow2.f32 v14;
	v14 =	vadd.f32 v12, v0;
	[tilespmem:s22+$0xFFFFFFD0] =	vst v4;
	v11 =	vpop (erf);
	(pc) =	sbr.rel @p0 .LBB2_7-.Ltmp2, $4  }
0xe3: {  	v15 =	vadd.f32 v10, v0;
	v12 =	vmul.f32 v17, v1;
	v4 =	vld [tilespmem:s21+$0x50];
	(erf) = vpow2.f32 v16;
	[tilespmem:s19+$0x50] =	vst v11;
	s19 =	smov.u32 s22;
	s22 =	smov.u32 s23  }
0xe4: {  	(erf) = vpow2.f32 v5;
	v11 =	vld [tilespmem:s21+$0x10];
	v5 =	vmul.f32 $1.442695020e+00, v9;
	s21 =	smov.u32 s25  }
0xe5: {  	v10 =	vmul.f32 $1.442695020e+00, v13;
	v9 =	vmul.f32 $1.442695020e+00, v15;
	v12 =	vadd.f32 v12, v0  }
0xe6: {  	s25 =	sadd.s32 $0x100, s25;
	(erf) = vpow2.f32 v6;
	v6 =	vmul.f32 $1.442695020e+00, v14  }
0xe7: {  	(erf) = vpow2.f32 v2;
	v2 =	vmul.f32 v8, v1  }
0xe8: {  	v3 =	vmul.f32 $1.442695020e+00, v3;
	(erf) = vpow2.f32 v7  }
0xe9: {  	v43 =	vmul.f32 v11, v1;
	(erf) = vpow2.f32 v10  }
0xea: {  	v2 =	vadd.f32 v2, v0;
	(erf) = vpow2.f32 v9  }
0xeb: {  	v45 =	vmul.f32 $1.442695020e+00, v12;
	v44 =	vpop (erf);
	v7 =	vadd.f32 v43, v0;
	(erf) = vpow2.f32 v5  }
0xec: {  	v46 =	vpop (erf);
	v2 =	vmul.f32 $1.442695020e+00, v2;
	(erf) = vpow2.f32 v3  }
0xed: {  	v3 =	vpop (erf);
	v7 =	vmul.f32 $1.442695020e+00, v7;
	(erf) = vpow2.f32 v6  }
0xee: {  	v47 =	vpop (erf);
	(erf) = vpow2.f32 v45  }
0xef: {  	v48 =	vpop (erf);
	(erf) = vpow2.f32 v7  }
0xf0: {  	v49 =	vpop (erf);
	(erf) = vpow2.f32 v2  }
0xf1: {  	[tilespmem:s23+$0xFFFFFF80] =	vst v44;
	v2 =	vpop (erf)  }
0xf2: {  	v8 =	vld [tilespmem:s21+$0x0];
	[tilespmem:s23+$0xFFFFFFF0] =	vst v2;
	v2 =	vpop (erf)  }
0xf3: {  	v50 =	vld [tilespmem:s21+$0x70];
	v51 =	vpop (erf)  }
0xf4: {  	[tilespmem:s23+$0xFFFFFFC0] =	vst v47;
	v52 =	vpop (erf)  }
0xf5: {  	v55 =	vld [tilespmem:s21+$0x40];
	[tilespmem:s23+$0xFFFFFFE0] =	vst v48;
	v53 =	vpop (erf)  }
0xf6: {  	v4 =	vmul.f32 v4, v1;
	v54 =	vld [tilespmem:s21+$0x60];
	v13 =	vpop (erf)  }
0xf7: {  	[tilespmem:s23+$0xFFFFFFB0] =	vst v46;
	v8 =	vmul.f32 v8, v1;
	v14 =	vpop (erf)  }
0xf8: {  	v4 =	vadd.f32 v4, v0;
	v15 =	vld [tilespmem:s21+$0x30];
	[tilespmem:s23+$0xFFFFFFA0] =	vst v2;
	v2 =	vmul.f32 v50, v1;
	v56 =	vpop (erf)  }
0xf9: {  	[tilespmem:s23+$0xFFFFFF90] =	vst v49;
	v57 =	vadd.f32 v8, v0;
	v58 =	vld [tilespmem:s21+$0x20];
	v16 =	vpop (erf)  }
0xfa: {  	v4 =	vmul.f32 $1.442695020e+00, v4;
	v59 =	vld [tilespmem:s21+$0x10];
	v9 =	vmul.f32 v55, v1;
	[tilespmem:s22+$0xFFFFFFD0] =	vst v16;
	v2 =	vadd.f32 v2, v0  }
0xfb: {  	v7 =	vmul.f32 $1.442695020e+00, v57;
	v6 =	vmul.f32 v54, v1;
	v16 =	vld [tilespmem:s21+$0x50]  }
0xfc: {  	(erf) = vpow2.f32 v4;
	v2 =	vmul.f32 $1.442695020e+00, v2  }
0xfd: {  	v60 =	vmul.f32 v15, v1;
	(erf) = vpow2.f32 v7;
	v6 =	vadd.f32 v6, v0  }
0xfe: {  	v8 =	vmul.f32 v58, v1;
	(erf) = vpow2.f32 v2;
	v2 =	vadd.f32 v9, v0  }
0xff: {  	v7 =	vadd.f32 v60, v0;
	v4 =	vmul.f32 v59, v1;
	v6 =	vmul.f32 $1.442695020e+00, v6  }
0x100: {  	v8 =	vadd.f32 v8, v0;
	v61 =	vmul.f32 v16, v1;
	v2 =	vmul.f32 $1.442695020e+00, v2  }
0x101: {  	[tilespmem:s19+$0x0] =	vst v3;
	v3 =	vmul.f32 $1.442695020e+00, v7;
	v4 =	vadd.f32 v4, v0;
	(erf) = vpow2.f32 v6  }
0x102: {  	[tilespmem:s19+$0x70] =	vst v51;
	v62 =	vmul.f32 $1.442695020e+00, v8;
	v63 =	vadd.f32 v61, v0;
	(erf) = vpow2.f32 v2  }
0x103: {  	[tilespmem:s19+$0x60] =	vst v52;
	v2 =	vmul.f32 $1.442695020e+00, v4;
	(erf) = vpow2.f32 v3  }
0x104: {  	[tilespmem:s19+$0x40] =	vst v53;
	v3 =	vmul.f32 $1.442695020e+00, v63;
	(erf) = vpow2.f32 v62  }
0x105: {  	[tilespmem:s19+$0x30] =	vst v13;
	(erf) = vpow2.f32 v2  }
0x106: {  	[tilespmem:s19+$0x20] =	vst v14;
	(erf) = vpow2.f32 v3  }
0x107: {  	[tilespmem:s19+$0x10] =	vst v56;
	v2 =	vpop (erf)  }
0x108: {  	[tilespmem:s19+$0x50] =	vst v2;
	v2 =	vpop (erf)  }
0x109: {  	[tilespmem:s22+$0x0] =	vst v2;
	v2 =	vpop (erf)  }
0x10a: {  	[tilespmem:s22+$0x70] =	vst v2;
	v2 =	vpop (erf)  }
0x10b: {  	[tilespmem:s22+$0x60] =	vst v2;
	v2 =	vpop (erf)  }
0x10c: {  	[tilespmem:s22+$0x40] =	vst v2;
	v2 =	vpop (erf)  }
0x10d: {  	[tilespmem:s22+$0x30] =	vst v2;
	v2 =	vpop (erf)  }
0x10e: {  	[tilespmem:s22+$0x20] =	vst v2;
	v2 =	vpop (erf)  }
0x10f: {  	[tilespmem:s22+$0x10] =	vst v2;
	v2 =	vpop (erf)  }
0x110: {  	s19 =	simm.s32 $0x0;
	[tilespmem:s22+$0x50] =	vst v2  }
.LBB2_9:
0x111: {  	s21 =	sshra.s32 s19, $0x2  }
0x112: {  	v2 =	vld [tilespmem:s21+$0x9C00]  }
0x113: {  	v3 =	vld [tilespmem:s21+$0x9C80];
	_ =	sdelay $0x3  }
0x114: {  	v2 =	vmul.f32 v2, v1  }
0x115: {  	v3 =	vmul.f32 v3, v1  }
0x116: {  	v2 =	vadd.f32 v2, v0  }
0x117: {  	v3 =	vadd.f32 v3, v0  }
0x118: {  	v2 =	vmul.f32 $1.442695020e+00, v2  }
0x119: {  	v3 =	vmul.f32 $1.442695020e+00, v3  }
0x11a: {  	(erf) = vpow2.f32 v2  }
0x11b: {  	(erf) = vpow2.f32 v3;
	_ =	sdelay $0x4  }
0x11c: {  	p0 =	sne.s32 s19, $0x40  }
.Ltmp3:
0x11d: {  	_ = 	snop;
	(pc) =	sbr.rel @p0 .LBB2_9-.Ltmp3, $4  }
0x11e: {  	_ = 	snop  }
0x11f: {  	v2 =	vpop (erf)  }
0x120: {  	[tilespmem:s21+$0x1F600] =	vst v2;
	v2 =	vpop (erf)  }
0x121: {  	s19 =	sadd.s32 $0x40, s19;
	[tilespmem:s21+$0x1F680] =	vst v2  }
0x122: {  	s18 =	sadd.s32 $0x1, s18  }
0x123: {  	p0 =	sne.s32 s18, s6  }
.Ltmp4:
0x124: {  	_ = 	snop;
	(pc) =	sbr.rel @p0 .LBB2_2-.Ltmp4, $4  }
0x125: {  	s19 =	sadd.s32 $0x9D00, s20  }
0x126: {  	s19 =	sshrl.u32 s19, $0x3  }
0x127: {  	s19 =	sadd.s32 s2, s19  }
0x128: {  	[hbm4b:s19+s3] =	stream.linear.scatter [tilespmem:s14], [sflag:$0x2], $0x9D00, $0x38;
	[tilespmem:$0x1F700] =	vst v63  }
0x129: {  	s17 =	sadd.s32 $0x1, s17  }
0x12a: {  	_ =	swait.ge [sflag:s15], $0x9D00;
	p0 =	sne.s32 s17, s9  }
.Ltmp5:
0x12b: {  	[sflag:s15] =	ssyncset.done $0x0;
	(pc) =	sbr.rel @p0 .LBB2_1-.Ltmp5, $4  }
0x12c: {  	[sflag:s15] =	ssyncadd.s32 $0xFFFF6300  }
0x12d: {  	_ =	swait.ge [sflag:s16], $0x9D00  }
0x12e: {  	[sflag:s16] =	ssyncset.done $0x0  }
0x12f: {  	[sflag:s16] =	ssyncadd.s32 $0xFFFF6300  }
0x130: {  	_ =	sfence.sel $0x180000  }
0x131: {  	[bflag:$0x0] =	sbarrier.arrive $0xFFFF  }
0x132: {  	p0 =	sne.s32 s0, $0x0;
	_ =	strace $0x90000047  }
0x133: {  	s0 =	sadd.s32 @!p0 $0x100000, s1;
	[bflag:$0x2] =	sbarrier.arrive $0xFFFF  }
0x134: {  	[sflag:s0] =	ssyncadd.tile.s32 @!p0 $0x1;
	_ =	shalt  }
.Lfunc_end2:
_tile_overlayer_lowered:
.L_overlay_start_2:
0x135: {  	(tag) =	ssettag $0x2  }
0x136: {  	s0 =	rddreg [dreg:$0x0];
	s2 =	stileid.u32  }
0x137: {  	s1 =	rddreg [dreg:$0x1];
	p0 =	sne.s32 s2, $0x0  }
0x138: {  	s3 =	rddreg [dreg:$0x2];
	[bflag:$0x3] =	sbarrier.arrive $0xFFFF;
	s2 =	simm.s32 @!p0 $0x1C03  }
0x139: {  	[timem:s3], [sflag:s2] =	dma.local @!p0 [hbm:s0], s1  }
0x13a: {  	s0 =	simm.s32 @!p0 $0x3  }
0x13b: {  	_ =	swait.ge @!p0 [sflag:s0], s1  }
0x13c: {  	s1 =	ssub.s32 @!p0 $0x0, s1;
	[sflag:s0] =	ssyncset.done @!p0 $0x0  }
0x13d: {  	[sflag:s0] =	ssyncadd.s32 @!p0 s1  }
0x13e: {  	[bflag:$0x3] =	sbarrier.arrive $0xFFFF  }
0x13f: {  	_ =	shalt  }

</sc_bundles>
